<compile_context>
chip_gen: v7x
topology: tpu7x:2x2x1
jax: 0.10.2.dev20260603
libtpu: 0.0.44.dev20260713+nightly
codegen_flags: <defaults>
</compile_context>

<pallas_src>
import functools

import jax
import jax.numpy as jnp
from jax import lax
from jax.experimental import pallas as pl
from jax.experimental.pallas import tpu as pltpu
from jax.experimental.pallas import tpu_sc as plsc

D = 64
DP = 128
B = 4096 * 50
NC = 2
NS = 16
NW = NC * NS
BPW = B // NW
CHUNK = 32
K = 10
ROWS = K * CHUNK
STEPS = BPW // ROWS

_mesh = plsc.VectorSubcoreMesh(core_axis_name="c", subcore_axis_name="s")


@functools.partial(
    pl.kernel,
    mesh=_mesh,
    compiler_params=pltpu.CompilerParams(use_tc_tiling_on_sc=False),
    out_type=jax.ShapeDtypeStruct((B, D), jnp.float32),
    scratch_types=[
        pltpu.VMEM((STEPS * K, CHUNK), jnp.int32),
        pltpu.VMEM((ROWS, DP), jnp.float32),
        pltpu.VMEM((ROWS, DP), jnp.float32),
        pltpu.SemaphoreType.DMA,
        pltpu.SemaphoreType.DMA,
        pltpu.SemaphoreType.DMA,
        pltpu.SemaphoreType.DMA,
    ],
)
def _embed(idx_hbm, table_hbm, out_hbm, idx_v, rows0, rows1, g0, g1, w0, w1):
    wid = lax.axis_index("s") * NC + lax.axis_index("c")
    base = wid * BPW
    pltpu.sync_copy(idx_hbm.at[wid], idx_v)

    bufs = ((rows0, g0, w0), (rows1, g1, w1))

    def fire(t, rows, gsem):
        handles = []
        for j in range(K):
            handles.append(pltpu.async_copy(
                table_hbm.at[idx_v.at[t * K + j]],
                rows.at[pl.ds(j * CHUNK, CHUNK)],
                gsem,
            ))
        return handles

    def step2(s):
        all_handles = []
        for b, (rows, gsem, wsem) in enumerate(bufs):
            t = s + b

            @pl.when(t >= 2)
            def _():
                pltpu.make_async_copy(
                    rows.at[:, :D],
                    out_hbm.at[pl.ds(base + (t - 2) * ROWS, ROWS)],
                    wsem,
                ).wait()

            all_handles.append(fire(t, rows, gsem))

        for b, (rows, gsem, wsem) in enumerate(bufs):
            t = s + b
            for h in all_handles[b]:
                h.wait()
            pltpu.async_copy(
                rows.at[:, :D],
                out_hbm.at[pl.ds(base + t * ROWS, ROWS)],
                wsem,
            )

    pl.loop(0, STEPS, step=2)(step2)

    for b, (rows, gsem, wsem) in enumerate(bufs):
        t = STEPS - 2 + b
        pltpu.make_async_copy(
            rows.at[:, :D],
            out_hbm.at[pl.ds(base + t * ROWS, ROWS)],
            wsem,
        ).wait()


def kernel(x, table):
    idx = x.astype(jnp.int32).reshape(NW, STEPS * K, CHUNK)
    tpad = jnp.pad(table, ((0, 0), (0, DP - D)))
    out = _embed(idx, tpad)
    return out.reshape(x.shape[0], x.shape[1], D)

# --- scband reference (transcript-rebuilt; emitter-appended) ---
"""Pipeline reference for scband-token-embedder-44203803410474 (READ-ONLY COPY).

The authoritative reference and input builder live on the scoring server;
editing this copy changes nothing except your own understanding.
"""

import jax, jax.numpy as jnp
import numpy as np

VOCAB = 1000000
EMBED_DIM = 64

def setup_inputs(seed: int = 0) -> dict:
    key = jax.random.key(seed)
    k1, k2 = jax.random.split(key)
    x = jax.random.randint(k1, (4096, 50), 0, VOCAB, dtype=jnp.int64)
    # nn.Embedding default init: N(0, 1)
    table = jax.random.normal(k2, (VOCAB, EMBED_DIM), dtype=jnp.float32)
    return {"x": x, "table": table}

def reference(x, table):
    return jnp.take(table, x, axis=0)

if __name__ == "__main__":
    import jax
    _d = setup_inputs()
    print(jax.jit(kernel)(*tuple(_d.values())))

</pallas_src>

<mosaic_0001>
#map = affine_map<(d0, d1) -> (0, 0, 0)>
#map1 = affine_map<(d0, d1) -> (0, 0)>
module attributes {stable_mosaic.version = 14 : i64} {
  func.func @_embed(%arg0: i32, %arg1: i32, %arg2: memref<32x200x32xi32, #tpu.memory_space<hbm>>, %arg3: memref<1000000x128xf32, #tpu.memory_space<hbm>>, %arg4: memref<204800x64xf32, #tpu.memory_space<hbm>>, %arg5: memref<200x32xi32, #tpu.memory_space<vmem>>, %arg6: memref<320x128xf32, #tpu.memory_space<vmem>>, %arg7: memref<320x128xf32, #tpu.memory_space<vmem>>, %arg8: memref<!tpu.dma_semaphore, #tpu.memory_space<semaphore_mem>>, %arg9: memref<!tpu.dma_semaphore, #tpu.memory_space<semaphore_mem>>, %arg10: memref<!tpu.dma_semaphore, #tpu.memory_space<semaphore_mem>>, %arg11: memref<!tpu.dma_semaphore, #tpu.memory_space<semaphore_mem>>) attributes {dimension_semantics = [#tpu.dimension_semantics<core_parallel>, #tpu.dimension_semantics<subcore_parallel>], iteration_bounds = array<i64: 2, 16>, scalar_prefetch = 0 : i64, scratch_operands = 7 : i64, tpu.core_type = #tpu.core_type<sc_vector_subcore>, window_params = [{transform_indices = #map}, {transform_indices = #map1}, {transform_indices = #map1}]} {
    %mul3A = arith.constant 2 : i32
    %mul3A_0 = arith.muli %arg1, %mul3A : i32
    %add3A = arith.addi %mul3A_0, %arg0 : i32
    %mul3A_1 = arith.constant 6400 : i32
    %mul3A_2 = arith.muli %add3A, %mul3A_1 : i32
    "tpu.region"() ({
      %run_scoped3A = tpu.sem_alloc : memref<!tpu.dma_semaphore, #tpu.memory_space<semaphore_mem>>
      %dma_start3A = arith.constant 0 : i32
      %dma_start3A_30 = arith.constant 0 : i32
      %dma_start3A_31 = tpu.memref_slice %arg2[%add3A, %dma_start3A, %dma_start3A_30] : memref<32x200x32xi32, #tpu.memory_space<hbm>> -> memref<1x200x32xi32, #tpu.memory_space<hbm>>
      %dma_start3A_32 = tpu.memref_squeeze %dma_start3A_31 : memref<1x200x32xi32, #tpu.memory_space<hbm>> -> memref<200x32xi32, #tpu.memory_space<hbm>>
      %dma_start3A_33 = arith.constant 0 : i32
      %dma_start3A_34 = arith.constant 0 : i32
      %dma_start3A_35 = tpu.memref_slice %arg2[%add3A, %dma_start3A_33, %dma_start3A_34] : memref<32x200x32xi32, #tpu.memory_space<hbm>> -> memref<1x200x32xi32, #tpu.memory_space<hbm>>
      %dma_start3A_36 = tpu.memref_squeeze %dma_start3A_35 : memref<1x200x32xi32, #tpu.memory_space<hbm>> -> memref<200x32xi32, #tpu.memory_space<hbm>>
      tpu.enqueue_dma source(%dma_start3A_36 : memref<200x32xi32, #tpu.memory_space<hbm>>) target(%arg5 : memref<200x32xi32, #tpu.memory_space<vmem>>) target_semaphore(%run_scoped3A : memref<!tpu.dma_semaphore, #tpu.memory_space<semaphore_mem>>)
      %dma_wait3A_37 = arith.constant 0 : i32
      %dma_wait3A_38 = arith.constant 0 : i32
      %dma_wait3A_39 = tpu.memref_slice %arg2[%add3A, %dma_wait3A_37, %dma_wait3A_38] : memref<32x200x32xi32, #tpu.memory_space<hbm>> -> memref<1x200x32xi32, #tpu.memory_space<hbm>>
      %dma_wait3A_40 = tpu.memref_squeeze %dma_wait3A_39 : memref<1x200x32xi32, #tpu.memory_space<hbm>> -> memref<200x32xi32, #tpu.memory_space<hbm>>
      %dma_wait3A_41 = arith.constant 0 : i32
      %dma_wait3A_42 = arith.constant 0 : i32
      %dma_wait3A_43 = tpu.memref_slice %arg2[%add3A, %dma_wait3A_41, %dma_wait3A_42] : memref<32x200x32xi32, #tpu.memory_space<hbm>> -> memref<1x200x32xi32, #tpu.memory_space<hbm>>
      %dma_wait3A_44 = tpu.memref_squeeze %dma_wait3A_43 : memref<1x200x32xi32, #tpu.memory_space<hbm>> -> memref<200x32xi32, #tpu.memory_space<hbm>>
      tpu.wait_dma2 semaphore(%run_scoped3A : memref<!tpu.dma_semaphore, #tpu.memory_space<semaphore_mem>>) src(%dma_wait3A_44 : memref<200x32xi32, #tpu.memory_space<hbm>>) dst(%arg5 : memref<200x32xi32, #tpu.memory_space<vmem>>)
      tpu.yield
    }) : () -> ()
    %scan3A = arith.constant 0 : i32
    %scan3A_3 = arith.constant 10 : i32
    %scan3A_4 = arith.addi %scan3A, %scan3A_3 : i32
    %scan3A_5 = arith.constant 1 : i32
    scf.for %scan3A_30 = %scan3A to %scan3A_4 step %scan3A_5  : i32 {
      %mul3A_31 = arith.constant 2 : i32
      %mul3A_32 = arith.muli %scan3A_30, %mul3A_31 : i32
      %add3A_33 = arith.constant 0 : i32
      %add3A_34 = arith.addi %add3A_33, %mul3A_32 : i32
      %add3A_35 = arith.constant 0 : i32
      %add3A_36 = arith.addi %add3A_34, %add3A_35 : i32
      %ge3A = arith.constant 2 : i32
      %ge3A_37 = arith.cmpi sge, %add3A_36, %ge3A : i32
      %convert_element_type3A = arith.extui %ge3A_37 : i1 to i32
      %cond3A = arith.constant 0 : i32
      %cond3A_38 = arith.cmpi ne, %convert_element_type3A, %cond3A : i32
      scf.if %cond3A_38 {
        %sub3A = arith.constant 2 : i32
        %sub3A_515 = arith.subi %add3A_36, %sub3A : i32
        %mul3A_516 = arith.constant 320 : i32
        %mul3A_517 = arith.muli %sub3A_515, %mul3A_516 : i32
        %add3A_518 = arith.addi %mul3A_2, %mul3A_517 : i32
        %dma_wait3A_519 = arith.constant 0 : i32
        %dma_wait3A_520 = arith.constant 0 : i32
        %dma_wait3A_521 = tpu.memref_slice %arg6[%dma_wait3A_519, %dma_wait3A_520] : memref<320x128xf32, #tpu.memory_space<vmem>> -> memref<320x64xf32, #tpu.memory_space<vmem>>
        %dma_wait3A_522 = arith.constant 0 : i32
        %dma_wait3A_523 = tpu.memref_slice %arg4[%add3A_518, %dma_wait3A_522] : memref<204800x64xf32, #tpu.memory_space<hbm>> -> memref<320x64xf32, #tpu.memory_space<hbm>>
        %dma_wait3A_524 = arith.constant 0 : i32
        %dma_wait3A_525 = tpu.memref_slice %arg4[%add3A_518, %dma_wait3A_524] : memref<204800x64xf32, #tpu.memory_space<hbm>> -> memref<320x64xf32, #tpu.memory_space<hbm>>
        %dma_wait3A_526 = arith.constant 0 : i32
        %dma_wait3A_527 = arith.constant 0 : i32
        %dma_wait3A_528 = tpu.memref_slice %arg6[%dma_wait3A_526, %dma_wait3A_527] : memref<320x128xf32, #tpu.memory_space<vmem>> -> memref<320x64xf32, #tpu.memory_space<vmem>>
        tpu.wait_dma2 semaphore(%arg10 : memref<!tpu.dma_semaphore, #tpu.memory_space<semaphore_mem>>) src(%dma_wait3A_528 : memref<320x64xf32, #tpu.memory_space<vmem>>) dst(%dma_wait3A_525 : memref<320x64xf32, #tpu.memory_space<hbm>>)
      } else {
      }
      %mul3A_39 = arith.constant 10 : i32
      %mul3A_40 = arith.muli %add3A_36, %mul3A_39 : i32
      %add3A_41 = arith.constant 0 : i32
      %add3A_42 = arith.addi %mul3A_40, %add3A_41 : i32
      %dma_start3A = arith.constant 0 : i32
      %dma_start3A_43 = arith.constant 0 : i32
      %dma_start3A_44 = tpu.memref_slice %arg6[%dma_start3A, %dma_start3A_43] : memref<320x128xf32, #tpu.memory_space<vmem>> -> memref<32x128xf32, #tpu.memory_space<vmem>>
      %dma_start3A_45 = arith.constant 0 : i32
      %dma_start3A_46 = tpu.memref_slice %arg5[%add3A_42, %dma_start3A_45] : memref<200x32xi32, #tpu.memory_space<vmem>> -> memref<1x32xi32, #tpu.memory_space<vmem>>
      %dma_start3A_47 = tpu.memref_squeeze %dma_start3A_46 : memref<1x32xi32, #tpu.memory_space<vmem>> -> memref<32xi32, #tpu.memory_space<vmem>>
      %dma_start3A_48 = arith.constant 0 : i32
      %dma_start3A_49 = arith.constant 0 : i32
      %dma_start3A_50 = tpu.memref_slice %arg3[%dma_start3A_48, %dma_start3A_49] : memref<1000000x128xf32, #tpu.memory_space<hbm>> -> memref<1000000x128xf32, #tpu.memory_space<hbm>>
      tpu.enqueue_indirect_dma source(%dma_start3A_50 : memref<1000000x128xf32, #tpu.memory_space<hbm>>) target(%dma_start3A_44 : memref<32x128xf32, #tpu.memory_space<vmem>>) offsets(%dma_start3A_47 : memref<32xi32, #tpu.memory_space<vmem>>) semaphore(%arg8 : memref<!tpu.dma_semaphore, #tpu.memory_space<semaphore_mem>>)
      %mul3A_51 = arith.constant 10 : i32
      %mul3A_52 = arith.muli %add3A_36, %mul3A_51 : i32
      %add3A_53 = arith.constant 1 : i32
      %add3A_54 = arith.addi %mul3A_52, %add3A_53 : i32
      %dma_start3A_55 = arith.constant 32 : i32
      %dma_start3A_56 = arith.constant 0 : i32
      %dma_start3A_57 = tpu.memref_slice %arg6[%dma_start3A_55, %dma_start3A_56] : memref<320x128xf32, #tpu.memory_space<vmem>> -> memref<32x128xf32, #tpu.memory_space<vmem>>
      %dma_start3A_58 = arith.constant 0 : i32
      %dma_start3A_59 = tpu.memref_slice %arg5[%add3A_54, %dma_start3A_58] : memref<200x32xi32, #tpu.memory_space<vmem>> -> memref<1x32xi32, #tpu.memory_space<vmem>>
      %dma_start3A_60 = tpu.memref_squeeze %dma_start3A_59 : memref<1x32xi32, #tpu.memory_space<vmem>> -> memref<32xi32, #tpu.memory_space<vmem>>
      %dma_start3A_61 = arith.constant 0 : i32
      %dma_start3A_62 = arith.constant 0 : i32
      %dma_start3A_63 = tpu.memref_slice %arg3[%dma_start3A_61, %dma_start3A_62] : memref<1000000x128xf32, #tpu.memory_space<hbm>> -> memref<1000000x128xf32, #tpu.memory_space<hbm>>
      tpu.enqueue_indirect_dma source(%dma_start3A_63 : memref<1000000x128xf32, #tpu.memory_space<hbm>>) target(%dma_start3A_57 : memref<32x128xf32, #tpu.memory_space<vmem>>) offsets(%dma_start3A_60 : memref<32xi32, #tpu.memory_space<vmem>>) semaphore(%arg8 : memref<!tpu.dma_semaphore, #tpu.memory_space<semaphore_mem>>)
      %mul3A_64 = arith.constant 10 : i32
      %mul3A_65 = arith.muli %add3A_36, %mul3A_64 : i32
      %add3A_66 = arith.constant 2 : i32
      %add3A_67 = arith.addi %mul3A_65, %add3A_66 : i32
      %dma_start3A_68 = arith.constant 64 : i32
      %dma_start3A_69 = arith.constant 0 : i32
      %dma_start3A_70 = tpu.memref_slice %arg6[%dma_start3A_68, %dma_start3A_69] : memref<320x128xf32, #tpu.memory_space<vmem>> -> memref<32x128xf32, #tpu.memory_space<vmem>>
      %dma_start3A_71 = arith.constant 0 : i32
      %dma_start3A_72 = tpu.memref_slice %arg5[%add3A_67, %dma_start3A_71] : memref<200x32xi32, #tpu.memory_space<vmem>> -> memref<1x32xi32, #tpu.memory_space<vmem>>
      %dma_start3A_73 = tpu.memref_squeeze %dma_start3A_72 : memref<1x32xi32, #tpu.memory_space<vmem>> -> memref<32xi32, #tpu.memory_space<vmem>>
      %dma_start3A_74 = arith.constant 0 : i32
      %dma_start3A_75 = arith.constant 0 : i32
      %dma_start3A_76 = tpu.memref_slice %arg3[%dma_start3A_74, %dma_start3A_75] : memref<1000000x128xf32, #tpu.memory_space<hbm>> -> memref<1000000x128xf32, #tpu.memory_space<hbm>>
      tpu.enqueue_indirect_dma source(%dma_start3A_76 : memref<1000000x128xf32, #tpu.memory_space<hbm>>) target(%dma_start3A_70 : memref<32x128xf32, #tpu.memory_space<vmem>>) offsets(%dma_start3A_73 : memref<32xi32, #tpu.memory_space<vmem>>) semaphore(%arg8 : memref<!tpu.dma_semaphore, #tpu.memory_space<semaphore_mem>>)
      %mul3A_77 = arith.constant 10 : i32
      %mul3A_78 = arith.muli %add3A_36, %mul3A_77 : i32
      %add3A_79 = arith.constant 3 : i32
      %add3A_80 = arith.addi %mul3A_78, %add3A_79 : i32
      %dma_start3A_81 = arith.constant 96 : i32
      %dma_start3A_82 = arith.constant 0 : i32
      %dma_start3A_83 = tpu.memref_slice %arg6[%dma_start3A_81, %dma_start3A_82] : memref<320x128xf32, #tpu.memory_space<vmem>> -> memref<32x128xf32, #tpu.memory_space<vmem>>
      %dma_start3A_84 = arith.constant 0 : i32
      %dma_start3A_85 = tpu.memref_slice %arg5[%add3A_80, %dma_start3A_84] : memref<200x32xi32, #tpu.memory_space<vmem>> -> memref<1x32xi32, #tpu.memory_space<vmem>>
      %dma_start3A_86 = tpu.memref_squeeze %dma_start3A_85 : memref<1x32xi32, #tpu.memory_space<vmem>> -> memref<32xi32, #tpu.memory_space<vmem>>
      %dma_start3A_87 = arith.constant 0 : i32
      %dma_start3A_88 = arith.constant 0 : i32
      %dma_start3A_89 = tpu.memref_slice %arg3[%dma_start3A_87, %dma_start3A_88] : memref<1000000x128xf32, #tpu.memory_space<hbm>> -> memref<1000000x128xf32, #tpu.memory_space<hbm>>
      tpu.enqueue_indirect_dma source(%dma_start3A_89 : memref<1000000x128xf32, #tpu.memory_space<hbm>>) target(%dma_start3A_83 : memref<32x128xf32, #tpu.memory_space<vmem>>) offsets(%dma_start3A_86 : memref<32xi32, #tpu.memory_space<vmem>>) semaphore(%arg8 : memref<!tpu.dma_semaphore, #tpu.memory_space<semaphore_mem>>)
      %mul3A_90 = arith.constant 10 : i32
      %mul3A_91 = arith.muli %add3A_36, %mul3A_90 : i32
      %add3A_92 = arith.constant 4 : i32
      %add3A_93 = arith.addi %mul3A_91, %add3A_92 : i32
      %dma_start3A_94 = arith.constant 128 : i32
      %dma_start3A_95 = arith.constant 0 : i32
      %dma_start3A_96 = tpu.memref_slice %arg6[%dma_start3A_94, %dma_start3A_95] : memref<320x128xf32, #tpu.memory_space<vmem>> -> memref<32x128xf32, #tpu.memory_space<vmem>>
      %dma_start3A_97 = arith.constant 0 : i32
      %dma_start3A_98 = tpu.memref_slice %arg5[%add3A_93, %dma_start3A_97] : memref<200x32xi32, #tpu.memory_space<vmem>> -> memref<1x32xi32, #tpu.memory_space<vmem>>
      %dma_start3A_99 = tpu.memref_squeeze %dma_start3A_98 : memref<1x32xi32, #tpu.memory_space<vmem>> -> memref<32xi32, #tpu.memory_space<vmem>>
      %dma_start3A_100 = arith.constant 0 : i32
      %dma_start3A_101 = arith.constant 0 : i32
      %dma_start3A_102 = tpu.memref_slice %arg3[%dma_start3A_100, %dma_start3A_101] : memref<1000000x128xf32, #tpu.memory_space<hbm>> -> memref<1000000x128xf32, #tpu.memory_space<hbm>>
      tpu.enqueue_indirect_dma source(%dma_start3A_102 : memref<1000000x128xf32, #tpu.memory_space<hbm>>) target(%dma_start3A_96 : memref<32x128xf32, #tpu.memory_space<vmem>>) offsets(%dma_start3A_99 : memref<32xi32, #tpu.memory_space<vmem>>) semaphore(%arg8 : memref<!tpu.dma_semaphore, #tpu.memory_space<semaphore_mem>>)
      %mul3A_103 = arith.constant 10 : i32
      %mul3A_104 = arith.muli %add3A_36, %mul3A_103 : i32
      %add3A_105 = arith.constant 5 : i32
      %add3A_106 = arith.addi %mul3A_104, %add3A_105 : i32
      %dma_start3A_107 = arith.constant 160 : i32
      %dma_start3A_108 = arith.constant 0 : i32
      %dma_start3A_109 = tpu.memref_slice %arg6[%dma_start3A_107, %dma_start3A_108] : memref<320x128xf32, #tpu.memory_space<vmem>> -> memref<32x128xf32, #tpu.memory_space<vmem>>
      %dma_start3A_110 = arith.constant 0 : i32
      %dma_start3A_111 = tpu.memref_slice %arg5[%add3A_106, %dma_start3A_110] : memref<200x32xi32, #tpu.memory_space<vmem>> -> memref<1x32xi32, #tpu.memory_space<vmem>>
      %dma_start3A_112 = tpu.memref_squeeze %dma_start3A_111 : memref<1x32xi32, #tpu.memory_space<vmem>> -> memref<32xi32, #tpu.memory_space<vmem>>
      %dma_start3A_113 = arith.constant 0 : i32
      %dma_start3A_114 = arith.constant 0 : i32
      %dma_start3A_115 = tpu.memref_slice %arg3[%dma_start3A_113, %dma_start3A_114] : memref<1000000x128xf32, #tpu.memory_space<hbm>> -> memref<1000000x128xf32, #tpu.memory_space<hbm>>
      tpu.enqueue_indirect_dma source(%dma_start3A_115 : memref<1000000x128xf32, #tpu.memory_space<hbm>>) target(%dma_start3A_109 : memref<32x128xf32, #tpu.memory_space<vmem>>) offsets(%dma_start3A_112 : memref<32xi32, #tpu.memory_space<vmem>>) semaphore(%arg8 : memref<!tpu.dma_semaphore, #tpu.memory_space<semaphore_mem>>)
      %mul3A_116 = arith.constant 10 : i32
      %mul3A_117 = arith.muli %add3A_36, %mul3A_116 : i32
      %add3A_118 = arith.constant 6 : i32
      %add3A_119 = arith.addi %mul3A_117, %add3A_118 : i32
      %dma_start3A_120 = arith.constant 192 : i32
      %dma_start3A_121 = arith.constant 0 : i32
      %dma_start3A_122 = tpu.memref_slice %arg6[%dma_start3A_120, %dma_start3A_121] : memref<320x128xf32, #tpu.memory_space<vmem>> -> memref<32x128xf32, #tpu.memory_space<vmem>>
      %dma_start3A_123 = arith.constant 0 : i32
      %dma_start3A_124 = tpu.memref_slice %arg5[%add3A_119, %dma_start3A_123] : memref<200x32xi32, #tpu.memory_space<vmem>> -> memref<1x32xi32, #tpu.memory_space<vmem>>
      %dma_start3A_125 = tpu.memref_squeeze %dma_start3A_124 : memref<1x32xi32, #tpu.memory_space<vmem>> -> memref<32xi32, #tpu.memory_space<vmem>>
      %dma_start3A_126 = arith.constant 0 : i32
      %dma_start3A_127 = arith.constant 0 : i32
      %dma_start3A_128 = tpu.memref_slice %arg3[%dma_start3A_126, %dma_start3A_127] : memref<1000000x128xf32, #tpu.memory_space<hbm>> -> memref<1000000x128xf32, #tpu.memory_space<hbm>>
      tpu.enqueue_indirect_dma source(%dma_start3A_128 : memref<1000000x128xf32, #tpu.memory_space<hbm>>) target(%dma_start3A_122 : memref<32x128xf32, #tpu.memory_space<vmem>>) offsets(%dma_start3A_125 : memref<32xi32, #tpu.memory_space<vmem>>) semaphore(%arg8 : memref<!tpu.dma_semaphore, #tpu.memory_space<semaphore_mem>>)
      %mul3A_129 = arith.constant 10 : i32
      %mul3A_130 = arith.muli %add3A_36, %mul3A_129 : i32
      %add3A_131 = arith.constant 7 : i32
      %add3A_132 = arith.addi %mul3A_130, %add3A_131 : i32
      %dma_start3A_133 = arith.constant 224 : i32
      %dma_start3A_134 = arith.constant 0 : i32
      %dma_start3A_135 = tpu.memref_slice %arg6[%dma_start3A_133, %dma_start3A_134] : memref<320x128xf32, #tpu.memory_space<vmem>> -> memref<32x128xf32, #tpu.memory_space<vmem>>
      %dma_start3A_136 = arith.constant 0 : i32
      %dma_start3A_137 = tpu.memref_slice %arg5[%add3A_132, %dma_start3A_136] : memref<200x32xi32, #tpu.memory_space<vmem>> -> memref<1x32xi32, #tpu.memory_space<vmem>>
      %dma_start3A_138 = tpu.memref_squeeze %dma_start3A_137 : memref<1x32xi32, #tpu.memory_space<vmem>> -> memref<32xi32, #tpu.memory_space<vmem>>
      %dma_start3A_139 = arith.constant 0 : i32
      %dma_start3A_140 = arith.constant 0 : i32
      %dma_start3A_141 = tpu.memref_slice %arg3[%dma_start3A_139, %dma_start3A_140] : memref<1000000x128xf32, #tpu.memory_space<hbm>> -> memref<1000000x128xf32, #tpu.memory_space<hbm>>
      tpu.enqueue_indirect_dma source(%dma_start3A_141 : memref<1000000x128xf32, #tpu.memory_space<hbm>>) target(%dma_start3A_135 : memref<32x128xf32, #tpu.memory_space<vmem>>) offsets(%dma_start3A_138 : memref<32xi32, #tpu.memory_space<vmem>>) semaphore(%arg8 : memref<!tpu.dma_semaphore, #tpu.memory_space<semaphore_mem>>)
      %mul3A_142 = arith.constant 10 : i32
      %mul3A_143 = arith.muli %add3A_36, %mul3A_142 : i32
      %add3A_144 = arith.constant 8 : i32
      %add3A_145 = arith.addi %mul3A_143, %add3A_144 : i32
      %dma_start3A_146 = arith.constant 256 : i32
      %dma_start3A_147 = arith.constant 0 : i32
      %dma_start3A_148 = tpu.memref_slice %arg6[%dma_start3A_146, %dma_start3A_147] : memref<320x128xf32, #tpu.memory_space<vmem>> -> memref<32x128xf32, #tpu.memory_space<vmem>>
      %dma_start3A_149 = arith.constant 0 : i32
      %dma_start3A_150 = tpu.memref_slice %arg5[%add3A_145, %dma_start3A_149] : memref<200x32xi32, #tpu.memory_space<vmem>> -> memref<1x32xi32, #tpu.memory_space<vmem>>
      %dma_start3A_151 = tpu.memref_squeeze %dma_start3A_150 : memref<1x32xi32, #tpu.memory_space<vmem>> -> memref<32xi32, #tpu.memory_space<vmem>>
      %dma_start3A_152 = arith.constant 0 : i32
      %dma_start3A_153 = arith.constant 0 : i32
      %dma_start3A_154 = tpu.memref_slice %arg3[%dma_start3A_152, %dma_start3A_153] : memref<1000000x128xf32, #tpu.memory_space<hbm>> -> memref<1000000x128xf32, #tpu.memory_space<hbm>>
      tpu.enqueue_indirect_dma source(%dma_start3A_154 : memref<1000000x128xf32, #tpu.memory_space<hbm>>) target(%dma_start3A_148 : memref<32x128xf32, #tpu.memory_space<vmem>>) offsets(%dma_start3A_151 : memref<32xi32, #tpu.memory_space<vmem>>) semaphore(%arg8 : memref<!tpu.dma_semaphore, #tpu.memory_space<semaphore_mem>>)
      %mul3A_155 = arith.constant 10 : i32
      %mul3A_156 = arith.muli %add3A_36, %mul3A_155 : i32
      %add3A_157 = arith.constant 9 : i32
      %add3A_158 = arith.addi %mul3A_156, %add3A_157 : i32
      %dma_start3A_159 = arith.constant 288 : i32
      %dma_start3A_160 = arith.constant 0 : i32
      %dma_start3A_161 = tpu.memref_slice %arg6[%dma_start3A_159, %dma_start3A_160] : memref<320x128xf32, #tpu.memory_space<vmem>> -> memref<32x128xf32, #tpu.memory_space<vmem>>
      %dma_start3A_162 = arith.constant 0 : i32
      %dma_start3A_163 = tpu.memref_slice %arg5[%add3A_158, %dma_start3A_162] : memref<200x32xi32, #tpu.memory_space<vmem>> -> memref<1x32xi32, #tpu.memory_space<vmem>>
      %dma_start3A_164 = tpu.memref_squeeze %dma_start3A_163 : memref<1x32xi32, #tpu.memory_space<vmem>> -> memref<32xi32, #tpu.memory_space<vmem>>
      %dma_start3A_165 = arith.constant 0 : i32
      %dma_start3A_166 = arith.constant 0 : i32
      %dma_start3A_167 = tpu.memref_slice %arg3[%dma_start3A_165, %dma_start3A_166] : memref<1000000x128xf32, #tpu.memory_space<hbm>> -> memref<1000000x128xf32, #tpu.memory_space<hbm>>
      tpu.enqueue_indirect_dma source(%dma_start3A_167 : memref<1000000x128xf32, #tpu.memory_space<hbm>>) target(%dma_start3A_161 : memref<32x128xf32, #tpu.memory_space<vmem>>) offsets(%dma_start3A_164 : memref<32xi32, #tpu.memory_space<vmem>>) semaphore(%arg8 : memref<!tpu.dma_semaphore, #tpu.memory_space<semaphore_mem>>)
      %add3A_168 = arith.constant 1 : i32
      %add3A_169 = arith.addi %add3A_34, %add3A_168 : i32
      %ge3A_170 = arith.constant 2 : i32
      %ge3A_171 = arith.cmpi sge, %add3A_169, %ge3A_170 : i32
      %convert_element_type3A_172 = arith.extui %ge3A_171 : i1 to i32
      %cond3A_173 = arith.constant 0 : i32
      %cond3A_174 = arith.cmpi ne, %convert_element_type3A_172, %cond3A_173 : i32
      scf.if %cond3A_174 {
        %sub3A = arith.constant 2 : i32
        %sub3A_515 = arith.subi %add3A_169, %sub3A : i32
        %mul3A_516 = arith.constant 320 : i32
        %mul3A_517 = arith.muli %sub3A_515, %mul3A_516 : i32
        %add3A_518 = arith.addi %mul3A_2, %mul3A_517 : i32
        %dma_wait3A_519 = arith.constant 0 : i32
        %dma_wait3A_520 = arith.constant 0 : i32
        %dma_wait3A_521 = tpu.memref_slice %arg7[%dma_wait3A_519, %dma_wait3A_520] : memref<320x128xf32, #tpu.memory_space<vmem>> -> memref<320x64xf32, #tpu.memory_space<vmem>>
        %dma_wait3A_522 = arith.constant 0 : i32
        %dma_wait3A_523 = tpu.memref_slice %arg4[%add3A_518, %dma_wait3A_522] : memref<204800x64xf32, #tpu.memory_space<hbm>> -> memref<320x64xf32, #tpu.memory_space<hbm>>
        %dma_wait3A_524 = arith.constant 0 : i32
        %dma_wait3A_525 = tpu.memref_slice %arg4[%add3A_518, %dma_wait3A_524] : memref<204800x64xf32, #tpu.memory_space<hbm>> -> memref<320x64xf32, #tpu.memory_space<hbm>>
        %dma_wait3A_526 = arith.constant 0 : i32
        %dma_wait3A_527 = arith.constant 0 : i32
        %dma_wait3A_528 = tpu.memref_slice %arg7[%dma_wait3A_526, %dma_wait3A_527] : memref<320x128xf32, #tpu.memory_space<vmem>> -> memref<320x64xf32, #tpu.memory_space<vmem>>
        tpu.wait_dma2 semaphore(%arg11 : memref<!tpu.dma_semaphore, #tpu.memory_space<semaphore_mem>>) src(%dma_wait3A_528 : memref<320x64xf32, #tpu.memory_space<vmem>>) dst(%dma_wait3A_525 : memref<320x64xf32, #tpu.memory_space<hbm>>)
      } else {
      }
      %mul3A_175 = arith.constant 10 : i32
      %mul3A_176 = arith.muli %add3A_169, %mul3A_175 : i32
      %add3A_177 = arith.constant 0 : i32
      %add3A_178 = arith.addi %mul3A_176, %add3A_177 : i32
      %dma_start3A_179 = arith.constant 0 : i32
      %dma_start3A_180 = arith.constant 0 : i32
      %dma_start3A_181 = tpu.memref_slice %arg7[%dma_start3A_179, %dma_start3A_180] : memref<320x128xf32, #tpu.memory_space<vmem>> -> memref<32x128xf32, #tpu.memory_space<vmem>>
      %dma_start3A_182 = arith.constant 0 : i32
      %dma_start3A_183 = tpu.memref_slice %arg5[%add3A_178, %dma_start3A_182] : memref<200x32xi32, #tpu.memory_space<vmem>> -> memref<1x32xi32, #tpu.memory_space<vmem>>
      %dma_start3A_184 = tpu.memref_squeeze %dma_start3A_183 : memref<1x32xi32, #tpu.memory_space<vmem>> -> memref<32xi32, #tpu.memory_space<vmem>>
      %dma_start3A_185 = arith.constant 0 : i32
      %dma_start3A_186 = arith.constant 0 : i32
      %dma_start3A_187 = tpu.memref_slice %arg3[%dma_start3A_185, %dma_start3A_186] : memref<1000000x128xf32, #tpu.memory_space<hbm>> -> memref<1000000x128xf32, #tpu.memory_space<hbm>>
      tpu.enqueue_indirect_dma source(%dma_start3A_187 : memref<1000000x128xf32, #tpu.memory_space<hbm>>) target(%dma_start3A_181 : memref<32x128xf32, #tpu.memory_space<vmem>>) offsets(%dma_start3A_184 : memref<32xi32, #tpu.memory_space<vmem>>) semaphore(%arg9 : memref<!tpu.dma_semaphore, #tpu.memory_space<semaphore_mem>>)
      %mul3A_188 = arith.constant 10 : i32
      %mul3A_189 = arith.muli %add3A_169, %mul3A_188 : i32
      %add3A_190 = arith.constant 1 : i32
      %add3A_191 = arith.addi %mul3A_189, %add3A_190 : i32
      %dma_start3A_192 = arith.constant 32 : i32
      %dma_start3A_193 = arith.constant 0 : i32
      %dma_start3A_194 = tpu.memref_slice %arg7[%dma_start3A_192, %dma_start3A_193] : memref<320x128xf32, #tpu.memory_space<vmem>> -> memref<32x128xf32, #tpu.memory_space<vmem>>
      %dma_start3A_195 = arith.constant 0 : i32
      %dma_start3A_196 = tpu.memref_slice %arg5[%add3A_191, %dma_start3A_195] : memref<200x32xi32, #tpu.memory_space<vmem>> -> memref<1x32xi32, #tpu.memory_space<vmem>>
      %dma_start3A_197 = tpu.memref_squeeze %dma_start3A_196 : memref<1x32xi32, #tpu.memory_space<vmem>> -> memref<32xi32, #tpu.memory_space<vmem>>
      %dma_start3A_198 = arith.constant 0 : i32
      %dma_start3A_199 = arith.constant 0 : i32
      %dma_start3A_200 = tpu.memref_slice %arg3[%dma_start3A_198, %dma_start3A_199] : memref<1000000x128xf32, #tpu.memory_space<hbm>> -> memref<1000000x128xf32, #tpu.memory_space<hbm>>
      tpu.enqueue_indirect_dma source(%dma_start3A_200 : memref<1000000x128xf32, #tpu.memory_space<hbm>>) target(%dma_start3A_194 : memref<32x128xf32, #tpu.memory_space<vmem>>) offsets(%dma_start3A_197 : memref<32xi32, #tpu.memory_space<vmem>>) semaphore(%arg9 : memref<!tpu.dma_semaphore, #tpu.memory_space<semaphore_mem>>)
      %mul3A_201 = arith.constant 10 : i32
      %mul3A_202 = arith.muli %add3A_169, %mul3A_201 : i32
      %add3A_203 = arith.constant 2 : i32
      %add3A_204 = arith.addi %mul3A_202, %add3A_203 : i32
      %dma_start3A_205 = arith.constant 64 : i32
      %dma_start3A_206 = arith.constant 0 : i32
      %dma_start3A_207 = tpu.memref_slice %arg7[%dma_start3A_205, %dma_start3A_206] : memref<320x128xf32, #tpu.memory_space<vmem>> -> memref<32x128xf32, #tpu.memory_space<vmem>>
      %dma_start3A_208 = arith.constant 0 : i32
      %dma_start3A_209 = tpu.memref_slice %arg5[%add3A_204, %dma_start3A_208] : memref<200x32xi32, #tpu.memory_space<vmem>> -> memref<1x32xi32, #tpu.memory_space<vmem>>
      %dma_start3A_210 = tpu.memref_squeeze %dma_start3A_209 : memref<1x32xi32, #tpu.memory_space<vmem>> -> memref<32xi32, #tpu.memory_space<vmem>>
      %dma_start3A_211 = arith.constant 0 : i32
      %dma_start3A_212 = arith.constant 0 : i32
      %dma_start3A_213 = tpu.memref_slice %arg3[%dma_start3A_211, %dma_start3A_212] : memref<1000000x128xf32, #tpu.memory_space<hbm>> -> memref<1000000x128xf32, #tpu.memory_space<hbm>>
      tpu.enqueue_indirect_dma source(%dma_start3A_213 : memref<1000000x128xf32, #tpu.memory_space<hbm>>) target(%dma_start3A_207 : memref<32x128xf32, #tpu.memory_space<vmem>>) offsets(%dma_start3A_210 : memref<32xi32, #tpu.memory_space<vmem>>) semaphore(%arg9 : memref<!tpu.dma_semaphore, #tpu.memory_space<semaphore_mem>>)
      %mul3A_214 = arith.constant 10 : i32
      %mul3A_215 = arith.muli %add3A_169, %mul3A_214 : i32
      %add3A_216 = arith.constant 3 : i32
      %add3A_217 = arith.addi %mul3A_215, %add3A_216 : i32
      %dma_start3A_218 = arith.constant 96 : i32
      %dma_start3A_219 = arith.constant 0 : i32
      %dma_start3A_220 = tpu.memref_slice %arg7[%dma_start3A_218, %dma_start3A_219] : memref<320x128xf32, #tpu.memory_space<vmem>> -> memref<32x128xf32, #tpu.memory_space<vmem>>
      %dma_start3A_221 = arith.constant 0 : i32
      %dma_start3A_222 = tpu.memref_slice %arg5[%add3A_217, %dma_start3A_221] : memref<200x32xi32, #tpu.memory_space<vmem>> -> memref<1x32xi32, #tpu.memory_space<vmem>>
      %dma_start3A_223 = tpu.memref_squeeze %dma_start3A_222 : memref<1x32xi32, #tpu.memory_space<vmem>> -> memref<32xi32, #tpu.memory_space<vmem>>
      %dma_start3A_224 = arith.constant 0 : i32
      %dma_start3A_225 = arith.constant 0 : i32
      %dma_start3A_226 = tpu.memref_slice %arg3[%dma_start3A_224, %dma_start3A_225] : memref<1000000x128xf32, #tpu.memory_space<hbm>> -> memref<1000000x128xf32, #tpu.memory_space<hbm>>
      tpu.enqueue_indirect_dma source(%dma_start3A_226 : memref<1000000x128xf32, #tpu.memory_space<hbm>>) target(%dma_start3A_220 : memref<32x128xf32, #tpu.memory_space<vmem>>) offsets(%dma_start3A_223 : memref<32xi32, #tpu.memory_space<vmem>>) semaphore(%arg9 : memref<!tpu.dma_semaphore, #tpu.memory_space<semaphore_mem>>)
      %mul3A_227 = arith.constant 10 : i32
      %mul3A_228 = arith.muli %add3A_169, %mul3A_227 : i32
      %add3A_229 = arith.constant 4 : i32
      %add3A_230 = arith.addi %mul3A_228, %add3A_229 : i32
      %dma_start3A_231 = arith.constant 128 : i32
      %dma_start3A_232 = arith.constant 0 : i32
      %dma_start3A_233 = tpu.memref_slice %arg7[%dma_start3A_231, %dma_start3A_232] : memref<320x128xf32, #tpu.memory_space<vmem>> -> memref<32x128xf32, #tpu.memory_space<vmem>>
      %dma_start3A_234 = arith.constant 0 : i32
      %dma_start3A_235 = tpu.memref_slice %arg5[%add3A_230, %dma_start3A_234] : memref<200x32xi32, #tpu.memory_space<vmem>> -> memref<1x32xi32, #tpu.memory_space<vmem>>
      %dma_start3A_236 = tpu.memref_squeeze %dma_start3A_235 : memref<1x32xi32, #tpu.memory_space<vmem>> -> memref<32xi32, #tpu.memory_space<vmem>>
      %dma_start3A_237 = arith.constant 0 : i32
      %dma_start3A_238 = arith.constant 0 : i32
      %dma_start3A_239 = tpu.memref_slice %arg3[%dma_start3A_237, %dma_start3A_238] : memref<1000000x128xf32, #tpu.memory_space<hbm>> -> memref<1000000x128xf32, #tpu.memory_space<hbm>>
      tpu.enqueue_indirect_dma source(%dma_start3A_239 : memref<1000000x128xf32, #tpu.memory_space<hbm>>) target(%dma_start3A_233 : memref<32x128xf32, #tpu.memory_space<vmem>>) offsets(%dma_start3A_236 : memref<32xi32, #tpu.memory_space<vmem>>) semaphore(%arg9 : memref<!tpu.dma_semaphore, #tpu.memory_space<semaphore_mem>>)
      %mul3A_240 = arith.constant 10 : i32
      %mul3A_241 = arith.muli %add3A_169, %mul3A_240 : i32
      %add3A_242 = arith.constant 5 : i32
      %add3A_243 = arith.addi %mul3A_241, %add3A_242 : i32
      %dma_start3A_244 = arith.constant 160 : i32
      %dma_start3A_245 = arith.constant 0 : i32
      %dma_start3A_246 = tpu.memref_slice %arg7[%dma_start3A_244, %dma_start3A_245] : memref<320x128xf32, #tpu.memory_space<vmem>> -> memref<32x128xf32, #tpu.memory_space<vmem>>
      %dma_start3A_247 = arith.constant 0 : i32
      %dma_start3A_248 = tpu.memref_slice %arg5[%add3A_243, %dma_start3A_247] : memref<200x32xi32, #tpu.memory_space<vmem>> -> memref<1x32xi32, #tpu.memory_space<vmem>>
      %dma_start3A_249 = tpu.memref_squeeze %dma_start3A_248 : memref<1x32xi32, #tpu.memory_space<vmem>> -> memref<32xi32, #tpu.memory_space<vmem>>
      %dma_start3A_250 = arith.constant 0 : i32
      %dma_start3A_251 = arith.constant 0 : i32
      %dma_start3A_252 = tpu.memref_slice %arg3[%dma_start3A_250, %dma_start3A_251] : memref<1000000x128xf32, #tpu.memory_space<hbm>> -> memref<1000000x128xf32, #tpu.memory_space<hbm>>
      tpu.enqueue_indirect_dma source(%dma_start3A_252 : memref<1000000x128xf32, #tpu.memory_space<hbm>>) target(%dma_start3A_246 : memref<32x128xf32, #tpu.memory_space<vmem>>) offsets(%dma_start3A_249 : memref<32xi32, #tpu.memory_space<vmem>>) semaphore(%arg9 : memref<!tpu.dma_semaphore, #tpu.memory_space<semaphore_mem>>)
      %mul3A_253 = arith.constant 10 : i32
      %mul3A_254 = arith.muli %add3A_169, %mul3A_253 : i32
      %add3A_255 = arith.constant 6 : i32
      %add3A_256 = arith.addi %mul3A_254, %add3A_255 : i32
      %dma_start3A_257 = arith.constant 192 : i32
      %dma_start3A_258 = arith.constant 0 : i32
      %dma_start3A_259 = tpu.memref_slice %arg7[%dma_start3A_257, %dma_start3A_258] : memref<320x128xf32, #tpu.memory_space<vmem>> -> memref<32x128xf32, #tpu.memory_space<vmem>>
      %dma_start3A_260 = arith.constant 0 : i32
      %dma_start3A_261 = tpu.memref_slice %arg5[%add3A_256, %dma_start3A_260] : memref<200x32xi32, #tpu.memory_space<vmem>> -> memref<1x32xi32, #tpu.memory_space<vmem>>
      %dma_start3A_262 = tpu.memref_squeeze %dma_start3A_261 : memref<1x32xi32, #tpu.memory_space<vmem>> -> memref<32xi32, #tpu.memory_space<vmem>>
      %dma_start3A_263 = arith.constant 0 : i32
      %dma_start3A_264 = arith.constant 0 : i32
      %dma_start3A_265 = tpu.memref_slice %arg3[%dma_start3A_263, %dma_start3A_264] : memref<1000000x128xf32, #tpu.memory_space<hbm>> -> memref<1000000x128xf32, #tpu.memory_space<hbm>>
      tpu.enqueue_indirect_dma source(%dma_start3A_265 : memref<1000000x128xf32, #tpu.memory_space<hbm>>) target(%dma_start3A_259 : memref<32x128xf32, #tpu.memory_space<vmem>>) offsets(%dma_start3A_262 : memref<32xi32, #tpu.memory_space<vmem>>) semaphore(%arg9 : memref<!tpu.dma_semaphore, #tpu.memory_space<semaphore_mem>>)
      %mul3A_266 = arith.constant 10 : i32
      %mul3A_267 = arith.muli %add3A_169, %mul3A_266 : i32
      %add3A_268 = arith.constant 7 : i32
      %add3A_269 = arith.addi %mul3A_267, %add3A_268 : i32
      %dma_start3A_270 = arith.constant 224 : i32
      %dma_start3A_271 = arith.constant 0 : i32
      %dma_start3A_272 = tpu.memref_slice %arg7[%dma_start3A_270, %dma_start3A_271] : memref<320x128xf32, #tpu.memory_space<vmem>> -> memref<32x128xf32, #tpu.memory_space<vmem>>
      %dma_start3A_273 = arith.constant 0 : i32
      %dma_start3A_274 = tpu.memref_slice %arg5[%add3A_269, %dma_start3A_273] : memref<200x32xi32, #tpu.memory_space<vmem>> -> memref<1x32xi32, #tpu.memory_space<vmem>>
      %dma_start3A_275 = tpu.memref_squeeze %dma_start3A_274 : memref<1x32xi32, #tpu.memory_space<vmem>> -> memref<32xi32, #tpu.memory_space<vmem>>
      %dma_start3A_276 = arith.constant 0 : i32
      %dma_start3A_277 = arith.constant 0 : i32
      %dma_start3A_278 = tpu.memref_slice %arg3[%dma_start3A_276, %dma_start3A_277] : memref<1000000x128xf32, #tpu.memory_space<hbm>> -> memref<1000000x128xf32, #tpu.memory_space<hbm>>
      tpu.enqueue_indirect_dma source(%dma_start3A_278 : memref<1000000x128xf32, #tpu.memory_space<hbm>>) target(%dma_start3A_272 : memref<32x128xf32, #tpu.memory_space<vmem>>) offsets(%dma_start3A_275 : memref<32xi32, #tpu.memory_space<vmem>>) semaphore(%arg9 : memref<!tpu.dma_semaphore, #tpu.memory_space<semaphore_mem>>)
      %mul3A_279 = arith.constant 10 : i32
      %mul3A_280 = arith.muli %add3A_169, %mul3A_279 : i32
      %add3A_281 = arith.constant 8 : i32
      %add3A_282 = arith.addi %mul3A_280, %add3A_281 : i32
      %dma_start3A_283 = arith.constant 256 : i32
      %dma_start3A_284 = arith.constant 0 : i32
      %dma_start3A_285 = tpu.memref_slice %arg7[%dma_start3A_283, %dma_start3A_284] : memref<320x128xf32, #tpu.memory_space<vmem>> -> memref<32x128xf32, #tpu.memory_space<vmem>>
      %dma_start3A_286 = arith.constant 0 : i32
      %dma_start3A_287 = tpu.memref_slice %arg5[%add3A_282, %dma_start3A_286] : memref<200x32xi32, #tpu.memory_space<vmem>> -> memref<1x32xi32, #tpu.memory_space<vmem>>
      %dma_start3A_288 = tpu.memref_squeeze %dma_start3A_287 : memref<1x32xi32, #tpu.memory_space<vmem>> -> memref<32xi32, #tpu.memory_space<vmem>>
      %dma_start3A_289 = arith.constant 0 : i32
      %dma_start3A_290 = arith.constant 0 : i32
      %dma_start3A_291 = tpu.memref_slice %arg3[%dma_start3A_289, %dma_start3A_290] : memref<1000000x128xf32, #tpu.memory_space<hbm>> -> memref<1000000x128xf32, #tpu.memory_space<hbm>>
      tpu.enqueue_indirect_dma source(%dma_start3A_291 : memref<1000000x128xf32, #tpu.memory_space<hbm>>) target(%dma_start3A_285 : memref<32x128xf32, #tpu.memory_space<vmem>>) offsets(%dma_start3A_288 : memref<32xi32, #tpu.memory_space<vmem>>) semaphore(%arg9 : memref<!tpu.dma_semaphore, #tpu.memory_space<semaphore_mem>>)
      %mul3A_292 = arith.constant 10 : i32
      %mul3A_293 = arith.muli %add3A_169, %mul3A_292 : i32
      %add3A_294 = arith.constant 9 : i32
      %add3A_295 = arith.addi %mul3A_293, %add3A_294 : i32
      %dma_start3A_296 = arith.constant 288 : i32
      %dma_start3A_297 = arith.constant 0 : i32
      %dma_start3A_298 = tpu.memref_slice %arg7[%dma_start3A_296, %dma_start3A_297] : memref<320x128xf32, #tpu.memory_space<vmem>> -> memref<32x128xf32, #tpu.memory_space<vmem>>
      %dma_start3A_299 = arith.constant 0 : i32
      %dma_start3A_300 = tpu.memref_slice %arg5[%add3A_295, %dma_start3A_299] : memref<200x32xi32, #tpu.memory_space<vmem>> -> memref<1x32xi32, #tpu.memory_space<vmem>>
      %dma_start3A_301 = tpu.memref_squeeze %dma_start3A_300 : memref<1x32xi32, #tpu.memory_space<vmem>> -> memref<32xi32, #tpu.memory_space<vmem>>
      %dma_start3A_302 = arith.constant 0 : i32
      %dma_start3A_303 = arith.constant 0 : i32
      %dma_start3A_304 = tpu.memref_slice %arg3[%dma_start3A_302, %dma_start3A_303] : memref<1000000x128xf32, #tpu.memory_space<hbm>> -> memref<1000000x128xf32, #tpu.memory_space<hbm>>
      tpu.enqueue_indirect_dma source(%dma_start3A_304 : memref<1000000x128xf32, #tpu.memory_space<hbm>>) target(%dma_start3A_298 : memref<32x128xf32, #tpu.memory_space<vmem>>) offsets(%dma_start3A_301 : memref<32xi32, #tpu.memory_space<vmem>>) semaphore(%arg9 : memref<!tpu.dma_semaphore, #tpu.memory_space<semaphore_mem>>)
      %add3A_305 = arith.constant 0 : i32
      %add3A_306 = arith.addi %add3A_34, %add3A_305 : i32
      %dma_wait3A_307 = arith.constant 0 : i32
      %dma_wait3A_308 = arith.constant 0 : i32
      %dma_wait3A_309 = tpu.memref_slice %arg6[%dma_wait3A_307, %dma_wait3A_308] : memref<320x128xf32, #tpu.memory_space<vmem>> -> memref<32x128xf32, #tpu.memory_space<vmem>>
      %dma_wait3A_310 = arith.constant 0 : i32
      %dma_wait3A_311 = tpu.memref_slice %arg5[%add3A_42, %dma_wait3A_310] : memref<200x32xi32, #tpu.memory_space<vmem>> -> memref<1x32xi32, #tpu.memory_space<vmem>>
      %dma_wait3A_312 = tpu.memref_squeeze %dma_wait3A_311 : memref<1x32xi32, #tpu.memory_space<vmem>> -> memref<32xi32, #tpu.memory_space<vmem>>
      %dma_wait3A_313 = arith.constant 0 : i32
      %dma_wait3A_314 = arith.constant 0 : i32
      %dma_wait3A_315 = tpu.memref_slice %arg3[%dma_wait3A_313, %dma_wait3A_314] : memref<1000000x128xf32, #tpu.memory_space<hbm>> -> memref<1000000x128xf32, #tpu.memory_space<hbm>>
      tpu.wait_indirect_dma semaphore(%arg8 : memref<!tpu.dma_semaphore, #tpu.memory_space<semaphore_mem>>) src(%dma_wait3A_315 : memref<1000000x128xf32, #tpu.memory_space<hbm>>) dst(%dma_wait3A_309 : memref<32x128xf32, #tpu.memory_space<vmem>>)
      %dma_wait3A_316 = arith.constant 32 : i32
      %dma_wait3A_317 = arith.constant 0 : i32
      %dma_wait3A_318 = tpu.memref_slice %arg6[%dma_wait3A_316, %dma_wait3A_317] : memref<320x128xf32, #tpu.memory_space<vmem>> -> memref<32x128xf32, #tpu.memory_space<vmem>>
      %dma_wait3A_319 = arith.constant 0 : i32
      %dma_wait3A_320 = tpu.memref_slice %arg5[%add3A_54, %dma_wait3A_319] : memref<200x32xi32, #tpu.memory_space<vmem>> -> memref<1x32xi32, #tpu.memory_space<vmem>>
      %dma_wait3A_321 = tpu.memref_squeeze %dma_wait3A_320 : memref<1x32xi32, #tpu.memory_space<vmem>> -> memref<32xi32, #tpu.memory_space<vmem>>
      %dma_wait3A_322 = arith.constant 0 : i32
      %dma_wait3A_323 = arith.constant 0 : i32
      %dma_wait3A_324 = tpu.memref_slice %arg3[%dma_wait3A_322, %dma_wait3A_323] : memref<1000000x128xf32, #tpu.memory_space<hbm>> -> memref<1000000x128xf32, #tpu.memory_space<hbm>>
      tpu.wait_indirect_dma semaphore(%arg8 : memref<!tpu.dma_semaphore, #tpu.memory_space<semaphore_mem>>) src(%dma_wait3A_324 : memref<1000000x128xf32, #tpu.memory_space<hbm>>) dst(%dma_wait3A_318 : memref<32x128xf32, #tpu.memory_space<vmem>>)
      %dma_wait3A_325 = arith.constant 64 : i32
      %dma_wait3A_326 = arith.constant 0 : i32
      %dma_wait3A_327 = tpu.memref_slice %arg6[%dma_wait3A_325, %dma_wait3A_326] : memref<320x128xf32, #tpu.memory_space<vmem>> -> memref<32x128xf32, #tpu.memory_space<vmem>>
      %dma_wait3A_328 = arith.constant 0 : i32
      %dma_wait3A_329 = tpu.memref_slice %arg5[%add3A_67, %dma_wait3A_328] : memref<200x32xi32, #tpu.memory_space<vmem>> -> memref<1x32xi32, #tpu.memory_space<vmem>>
      %dma_wait3A_330 = tpu.memref_squeeze %dma_wait3A_329 : memref<1x32xi32, #tpu.memory_space<vmem>> -> memref<32xi32, #tpu.memory_space<vmem>>
      %dma_wait3A_331 = arith.constant 0 : i32
      %dma_wait3A_332 = arith.constant 0 : i32
      %dma_wait3A_333 = tpu.memref_slice %arg3[%dma_wait3A_331, %dma_wait3A_332] : memref<1000000x128xf32, #tpu.memory_space<hbm>> -> memref<1000000x128xf32, #tpu.memory_space<hbm>>
      tpu.wait_indirect_dma semaphore(%arg8 : memref<!tpu.dma_semaphore, #tpu.memory_space<semaphore_mem>>) src(%dma_wait3A_333 : memref<1000000x128xf32, #tpu.memory_space<hbm>>) dst(%dma_wait3A_327 : memref<32x128xf32, #tpu.memory_space<vmem>>)
      %dma_wait3A_334 = arith.constant 96 : i32
      %dma_wait3A_335 = arith.constant 0 : i32
      %dma_wait3A_336 = tpu.memref_slice %arg6[%dma_wait3A_334, %dma_wait3A_335] : memref<320x128xf32, #tpu.memory_space<vmem>> -> memref<32x128xf32, #tpu.memory_space<vmem>>
      %dma_wait3A_337 = arith.constant 0 : i32
      %dma_wait3A_338 = tpu.memref_slice %arg5[%add3A_80, %dma_wait3A_337] : memref<200x32xi32, #tpu.memory_space<vmem>> -> memref<1x32xi32, #tpu.memory_space<vmem>>
      %dma_wait3A_339 = tpu.memref_squeeze %dma_wait3A_338 : memref<1x32xi32, #tpu.memory_space<vmem>> -> memref<32xi32, #tpu.memory_space<vmem>>
      %dma_wait3A_340 = arith.constant 0 : i32
      %dma_wait3A_341 = arith.constant 0 : i32
      %dma_wait3A_342 = tpu.memref_slice %arg3[%dma_wait3A_340, %dma_wait3A_341] : memref<1000000x128xf32, #tpu.memory_space<hbm>> -> memref<1000000x128xf32, #tpu.memory_space<hbm>>
      tpu.wait_indirect_dma semaphore(%arg8 : memref<!tpu.dma_semaphore, #tpu.memory_space<semaphore_mem>>) src(%dma_wait3A_342 : memref<1000000x128xf32, #tpu.memory_space<hbm>>) dst(%dma_wait3A_336 : memref<32x128xf32, #tpu.memory_space<vmem>>)
      %dma_wait3A_343 = arith.constant 128 : i32
      %dma_wait3A_344 = arith.constant 0 : i32
      %dma_wait3A_345 = tpu.memref_slice %arg6[%dma_wait3A_343, %dma_wait3A_344] : memref<320x128xf32, #tpu.memory_space<vmem>> -> memref<32x128xf32, #tpu.memory_space<vmem>>
      %dma_wait3A_346 = arith.constant 0 : i32
      %dma_wait3A_347 = tpu.memref_slice %arg5[%add3A_93, %dma_wait3A_346] : memref<200x32xi32, #tpu.memory_space<vmem>> -> memref<1x32xi32, #tpu.memory_space<vmem>>
      %dma_wait3A_348 = tpu.memref_squeeze %dma_wait3A_347 : memref<1x32xi32, #tpu.memory_space<vmem>> -> memref<32xi32, #tpu.memory_space<vmem>>
      %dma_wait3A_349 = arith.constant 0 : i32
      %dma_wait3A_350 = arith.constant 0 : i32
      %dma_wait3A_351 = tpu.memref_slice %arg3[%dma_wait3A_349, %dma_wait3A_350] : memref<1000000x128xf32, #tpu.memory_space<hbm>> -> memref<1000000x128xf32, #tpu.memory_space<hbm>>
      tpu.wait_indirect_dma semaphore(%arg8 : memref<!tpu.dma_semaphore, #tpu.memory_space<semaphore_mem>>) src(%dma_wait3A_351 : memref<1000000x128xf32, #tpu.memory_space<hbm>>) dst(%dma_wait3A_345 : memref<32x128xf32, #tpu.memory_space<vmem>>)
      %dma_wait3A_352 = arith.constant 160 : i32
      %dma_wait3A_353 = arith.constant 0 : i32
      %dma_wait3A_354 = tpu.memref_slice %arg6[%dma_wait3A_352, %dma_wait3A_353] : memref<320x128xf32, #tpu.memory_space<vmem>> -> memref<32x128xf32, #tpu.memory_space<vmem>>
      %dma_wait3A_355 = arith.constant 0 : i32
      %dma_wait3A_356 = tpu.memref_slice %arg5[%add3A_106, %dma_wait3A_355] : memref<200x32xi32, #tpu.memory_space<vmem>> -> memref<1x32xi32, #tpu.memory_space<vmem>>
      %dma_wait3A_357 = tpu.memref_squeeze %dma_wait3A_356 : memref<1x32xi32, #tpu.memory_space<vmem>> -> memref<32xi32, #tpu.memory_space<vmem>>
      %dma_wait3A_358 = arith.constant 0 : i32
      %dma_wait3A_359 = arith.constant 0 : i32
      %dma_wait3A_360 = tpu.memref_slice %arg3[%dma_wait3A_358, %dma_wait3A_359] : memref<1000000x128xf32, #tpu.memory_space<hbm>> -> memref<1000000x128xf32, #tpu.memory_space<hbm>>
      tpu.wait_indirect_dma semaphore(%arg8 : memref<!tpu.dma_semaphore, #tpu.memory_space<semaphore_mem>>) src(%dma_wait3A_360 : memref<1000000x128xf32, #tpu.memory_space<hbm>>) dst(%dma_wait3A_354 : memref<32x128xf32, #tpu.memory_space<vmem>>)
      %dma_wait3A_361 = arith.constant 192 : i32
      %dma_wait3A_362 = arith.constant 0 : i32
      %dma_wait3A_363 = tpu.memref_slice %arg6[%dma_wait3A_361, %dma_wait3A_362] : memref<320x128xf32, #tpu.memory_space<vmem>> -> memref<32x128xf32, #tpu.memory_space<vmem>>
      %dma_wait3A_364 = arith.constant 0 : i32
      %dma_wait3A_365 = tpu.memref_slice %arg5[%add3A_119, %dma_wait3A_364] : memref<200x32xi32, #tpu.memory_space<vmem>> -> memref<1x32xi32, #tpu.memory_space<vmem>>
      %dma_wait3A_366 = tpu.memref_squeeze %dma_wait3A_365 : memref<1x32xi32, #tpu.memory_space<vmem>> -> memref<32xi32, #tpu.memory_space<vmem>>
      %dma_wait3A_367 = arith.constant 0 : i32
      %dma_wait3A_368 = arith.constant 0 : i32
      %dma_wait3A_369 = tpu.memref_slice %arg3[%dma_wait3A_367, %dma_wait3A_368] : memref<1000000x128xf32, #tpu.memory_space<hbm>> -> memref<1000000x128xf32, #tpu.memory_space<hbm>>
      tpu.wait_indirect_dma semaphore(%arg8 : memref<!tpu.dma_semaphore, #tpu.memory_space<semaphore_mem>>) src(%dma_wait3A_369 : memref<1000000x128xf32, #tpu.memory_space<hbm>>) dst(%dma_wait3A_363 : memref<32x128xf32, #tpu.memory_space<vmem>>)
      %dma_wait3A_370 = arith.constant 224 : i32
      %dma_wait3A_371 = arith.constant 0 : i32
      %dma_wait3A_372 = tpu.memref_slice %arg6[%dma_wait3A_370, %dma_wait3A_371] : memref<320x128xf32, #tpu.memory_space<vmem>> -> memref<32x128xf32, #tpu.memory_space<vmem>>
      %dma_wait3A_373 = arith.constant 0 : i32
      %dma_wait3A_374 = tpu.memref_slice %arg5[%add3A_132, %dma_wait3A_373] : memref<200x32xi32, #tpu.memory_space<vmem>> -> memref<1x32xi32, #tpu.memory_space<vmem>>
      %dma_wait3A_375 = tpu.memref_squeeze %dma_wait3A_374 : memref<1x32xi32, #tpu.memory_space<vmem>> -> memref<32xi32, #tpu.memory_space<vmem>>
      %dma_wait3A_376 = arith.constant 0 : i32
      %dma_wait3A_377 = arith.constant 0 : i32
      %dma_wait3A_378 = tpu.memref_slice %arg3[%dma_wait3A_376, %dma_wait3A_377] : memref<1000000x128xf32, #tpu.memory_space<hbm>> -> memref<1000000x128xf32, #tpu.memory_space<hbm>>
      tpu.wait_indirect_dma semaphore(%arg8 : memref<!tpu.dma_semaphore, #tpu.memory_space<semaphore_mem>>) src(%dma_wait3A_378 : memref<1000000x128xf32, #tpu.memory_space<hbm>>) dst(%dma_wait3A_372 : memref<32x128xf32, #tpu.memory_space<vmem>>)
      %dma_wait3A_379 = arith.constant 256 : i32
      %dma_wait3A_380 = arith.constant 0 : i32
      %dma_wait3A_381 = tpu.memref_slice %arg6[%dma_wait3A_379, %dma_wait3A_380] : memref<320x128xf32, #tpu.memory_space<vmem>> -> memref<32x128xf32, #tpu.memory_space<vmem>>
      %dma_wait3A_382 = arith.constant 0 : i32
      %dma_wait3A_383 = tpu.memref_slice %arg5[%add3A_145, %dma_wait3A_382] : memref<200x32xi32, #tpu.memory_space<vmem>> -> memref<1x32xi32, #tpu.memory_space<vmem>>
      %dma_wait3A_384 = tpu.memref_squeeze %dma_wait3A_383 : memref<1x32xi32, #tpu.memory_space<vmem>> -> memref<32xi32, #tpu.memory_space<vmem>>
      %dma_wait3A_385 = arith.constant 0 : i32
      %dma_wait3A_386 = arith.constant 0 : i32
      %dma_wait3A_387 = tpu.memref_slice %arg3[%dma_wait3A_385, %dma_wait3A_386] : memref<1000000x128xf32, #tpu.memory_space<hbm>> -> memref<1000000x128xf32, #tpu.memory_space<hbm>>
      tpu.wait_indirect_dma semaphore(%arg8 : memref<!tpu.dma_semaphore, #tpu.memory_space<semaphore_mem>>) src(%dma_wait3A_387 : memref<1000000x128xf32, #tpu.memory_space<hbm>>) dst(%dma_wait3A_381 : memref<32x128xf32, #tpu.memory_space<vmem>>)
      %dma_wait3A_388 = arith.constant 288 : i32
      %dma_wait3A_389 = arith.constant 0 : i32
      %dma_wait3A_390 = tpu.memref_slice %arg6[%dma_wait3A_388, %dma_wait3A_389] : memref<320x128xf32, #tpu.memory_space<vmem>> -> memref<32x128xf32, #tpu.memory_space<vmem>>
      %dma_wait3A_391 = arith.constant 0 : i32
      %dma_wait3A_392 = tpu.memref_slice %arg5[%add3A_158, %dma_wait3A_391] : memref<200x32xi32, #tpu.memory_space<vmem>> -> memref<1x32xi32, #tpu.memory_space<vmem>>
      %dma_wait3A_393 = tpu.memref_squeeze %dma_wait3A_392 : memref<1x32xi32, #tpu.memory_space<vmem>> -> memref<32xi32, #tpu.memory_space<vmem>>
      %dma_wait3A_394 = arith.constant 0 : i32
      %dma_wait3A_395 = arith.constant 0 : i32
      %dma_wait3A_396 = tpu.memref_slice %arg3[%dma_wait3A_394, %dma_wait3A_395] : memref<1000000x128xf32, #tpu.memory_space<hbm>> -> memref<1000000x128xf32, #tpu.memory_space<hbm>>
      tpu.wait_indirect_dma semaphore(%arg8 : memref<!tpu.dma_semaphore, #tpu.memory_space<semaphore_mem>>) src(%dma_wait3A_396 : memref<1000000x128xf32, #tpu.memory_space<hbm>>) dst(%dma_wait3A_390 : memref<32x128xf32, #tpu.memory_space<vmem>>)
      %mul3A_397 = arith.constant 320 : i32
      %mul3A_398 = arith.muli %add3A_306, %mul3A_397 : i32
      %add3A_399 = arith.addi %mul3A_2, %mul3A_398 : i32
      %dma_start3A_400 = arith.constant 0 : i32
      %dma_start3A_401 = arith.constant 0 : i32
      %dma_start3A_402 = tpu.memref_slice %arg6[%dma_start3A_400, %dma_start3A_401] : memref<320x128xf32, #tpu.memory_space<vmem>> -> memref<320x64xf32, #tpu.memory_space<vmem>>
      %dma_start3A_403 = arith.constant 0 : i32
      %dma_start3A_404 = tpu.memref_slice %arg4[%add3A_399, %dma_start3A_403] : memref<204800x64xf32, #tpu.memory_space<hbm>> -> memref<320x64xf32, #tpu.memory_space<hbm>>
      %dma_start3A_405 = arith.constant 0 : i32
      %dma_start3A_406 = tpu.memref_slice %arg4[%add3A_399, %dma_start3A_405] : memref<204800x64xf32, #tpu.memory_space<hbm>> -> memref<320x64xf32, #tpu.memory_space<hbm>>
      %dma_start3A_407 = arith.constant 0 : i32
      %dma_start3A_408 = arith.constant 0 : i32
      %dma_start3A_409 = tpu.memref_slice %arg6[%dma_start3A_407, %dma_start3A_408] : memref<320x128xf32, #tpu.memory_space<vmem>> -> memref<320x64xf32, #tpu.memory_space<vmem>>
      tpu.enqueue_dma source(%dma_start3A_409 : memref<320x64xf32, #tpu.memory_space<vmem>>) target(%dma_start3A_406 : memref<320x64xf32, #tpu.memory_space<hbm>>) target_semaphore(%arg10 : memref<!tpu.dma_semaphore, #tpu.memory_space<semaphore_mem>>)
      %add3A_410 = arith.constant 1 : i32
      %add3A_411 = arith.addi %add3A_34, %add3A_410 : i32
      %dma_wait3A_412 = arith.constant 0 : i32
      %dma_wait3A_413 = arith.constant 0 : i32
      %dma_wait3A_414 = tpu.memref_slice %arg7[%dma_wait3A_412, %dma_wait3A_413] : memref<320x128xf32, #tpu.memory_space<vmem>> -> memref<32x128xf32, #tpu.memory_space<vmem>>
      %dma_wait3A_415 = arith.constant 0 : i32
      %dma_wait3A_416 = tpu.memref_slice %arg5[%add3A_178, %dma_wait3A_415] : memref<200x32xi32, #tpu.memory_space<vmem>> -> memref<1x32xi32, #tpu.memory_space<vmem>>
      %dma_wait3A_417 = tpu.memref_squeeze %dma_wait3A_416 : memref<1x32xi32, #tpu.memory_space<vmem>> -> memref<32xi32, #tpu.memory_space<vmem>>
      %dma_wait3A_418 = arith.constant 0 : i32
      %dma_wait3A_419 = arith.constant 0 : i32
      %dma_wait3A_420 = tpu.memref_slice %arg3[%dma_wait3A_418, %dma_wait3A_419] : memref<1000000x128xf32, #tpu.memory_space<hbm>> -> memref<1000000x128xf32, #tpu.memory_space<hbm>>
      tpu.wait_indirect_dma semaphore(%arg9 : memref<!tpu.dma_semaphore, #tpu.memory_space<semaphore_mem>>) src(%dma_wait3A_420 : memref<1000000x128xf32, #tpu.memory_space<hbm>>) dst(%dma_wait3A_414 : memref<32x128xf32, #tpu.memory_space<vmem>>)
      %dma_wait3A_421 = arith.constant 32 : i32
      %dma_wait3A_422 = arith.constant 0 : i32
      %dma_wait3A_423 = tpu.memref_slice %arg7[%dma_wait3A_421, %dma_wait3A_422] : memref<320x128xf32, #tpu.memory_space<vmem>> -> memref<32x128xf32, #tpu.memory_space<vmem>>
      %dma_wait3A_424 = arith.constant 0 : i32
      %dma_wait3A_425 = tpu.memref_slice %arg5[%add3A_191, %dma_wait3A_424] : memref<200x32xi32, #tpu.memory_space<vmem>> -> memref<1x32xi32, #tpu.memory_space<vmem>>
      %dma_wait3A_426 = tpu.memref_squeeze %dma_wait3A_425 : memref<1x32xi32, #tpu.memory_space<vmem>> -> memref<32xi32, #tpu.memory_space<vmem>>
      %dma_wait3A_427 = arith.constant 0 : i32
      %dma_wait3A_428 = arith.constant 0 : i32
      %dma_wait3A_429 = tpu.memref_slice %arg3[%dma_wait3A_427, %dma_wait3A_428] : memref<1000000x128xf32, #tpu.memory_space<hbm>> -> memref<1000000x128xf32, #tpu.memory_space<hbm>>
      tpu.wait_indirect_dma semaphore(%arg9 : memref<!tpu.dma_semaphore, #tpu.memory_space<semaphore_mem>>) src(%dma_wait3A_429 : memref<1000000x128xf32, #tpu.memory_space<hbm>>) dst(%dma_wait3A_423 : memref<32x128xf32, #tpu.memory_space<vmem>>)
      %dma_wait3A_430 = arith.constant 64 : i32
      %dma_wait3A_431 = arith.constant 0 : i32
      %dma_wait3A_432 = tpu.memref_slice %arg7[%dma_wait3A_430, %dma_wait3A_431] : memref<320x128xf32, #tpu.memory_space<vmem>> -> memref<32x128xf32, #tpu.memory_space<vmem>>
      %dma_wait3A_433 = arith.constant 0 : i32
      %dma_wait3A_434 = tpu.memref_slice %arg5[%add3A_204, %dma_wait3A_433] : memref<200x32xi32, #tpu.memory_space<vmem>> -> memref<1x32xi32, #tpu.memory_space<vmem>>
      %dma_wait3A_435 = tpu.memref_squeeze %dma_wait3A_434 : memref<1x32xi32, #tpu.memory_space<vmem>> -> memref<32xi32, #tpu.memory_space<vmem>>
      %dma_wait3A_436 = arith.constant 0 : i32
      %dma_wait3A_437 = arith.constant 0 : i32
      %dma_wait3A_438 = tpu.memref_slice %arg3[%dma_wait3A_436, %dma_wait3A_437] : memref<1000000x128xf32, #tpu.memory_space<hbm>> -> memref<1000000x128xf32, #tpu.memory_space<hbm>>
      tpu.wait_indirect_dma semaphore(%arg9 : memref<!tpu.dma_semaphore, #tpu.memory_space<semaphore_mem>>) src(%dma_wait3A_438 : memref<1000000x128xf32, #tpu.memory_space<hbm>>) dst(%dma_wait3A_432 : memref<32x128xf32, #tpu.memory_space<vmem>>)
      %dma_wait3A_439 = arith.constant 96 : i32
      %dma_wait3A_440 = arith.constant 0 : i32
      %dma_wait3A_441 = tpu.memref_slice %arg7[%dma_wait3A_439, %dma_wait3A_440] : memref<320x128xf32, #tpu.memory_space<vmem>> -> memref<32x128xf32, #tpu.memory_space<vmem>>
      %dma_wait3A_442 = arith.constant 0 : i32
      %dma_wait3A_443 = tpu.memref_slice %arg5[%add3A_217, %dma_wait3A_442] : memref<200x32xi32, #tpu.memory_space<vmem>> -> memref<1x32xi32, #tpu.memory_space<vmem>>
      %dma_wait3A_444 = tpu.memref_squeeze %dma_wait3A_443 : memref<1x32xi32, #tpu.memory_space<vmem>> -> memref<32xi32, #tpu.memory_space<vmem>>
      %dma_wait3A_445 = arith.constant 0 : i32
      %dma_wait3A_446 = arith.constant 0 : i32
      %dma_wait3A_447 = tpu.memref_slice %arg3[%dma_wait3A_445, %dma_wait3A_446] : memref<1000000x128xf32, #tpu.memory_space<hbm>> -> memref<1000000x128xf32, #tpu.memory_space<hbm>>
      tpu.wait_indirect_dma semaphore(%arg9 : memref<!tpu.dma_semaphore, #tpu.memory_space<semaphore_mem>>) src(%dma_wait3A_447 : memref<1000000x128xf32, #tpu.memory_space<hbm>>) dst(%dma_wait3A_441 : memref<32x128xf32, #tpu.memory_space<vmem>>)
      %dma_wait3A_448 = arith.constant 128 : i32
      %dma_wait3A_449 = arith.constant 0 : i32
      %dma_wait3A_450 = tpu.memref_slice %arg7[%dma_wait3A_448, %dma_wait3A_449] : memref<320x128xf32, #tpu.memory_space<vmem>> -> memref<32x128xf32, #tpu.memory_space<vmem>>
      %dma_wait3A_451 = arith.constant 0 : i32
      %dma_wait3A_452 = tpu.memref_slice %arg5[%add3A_230, %dma_wait3A_451] : memref<200x32xi32, #tpu.memory_space<vmem>> -> memref<1x32xi32, #tpu.memory_space<vmem>>
      %dma_wait3A_453 = tpu.memref_squeeze %dma_wait3A_452 : memref<1x32xi32, #tpu.memory_space<vmem>> -> memref<32xi32, #tpu.memory_space<vmem>>
      %dma_wait3A_454 = arith.constant 0 : i32
      %dma_wait3A_455 = arith.constant 0 : i32
      %dma_wait3A_456 = tpu.memref_slice %arg3[%dma_wait3A_454, %dma_wait3A_455] : memref<1000000x128xf32, #tpu.memory_space<hbm>> -> memref<1000000x128xf32, #tpu.memory_space<hbm>>
      tpu.wait_indirect_dma semaphore(%arg9 : memref<!tpu.dma_semaphore, #tpu.memory_space<semaphore_mem>>) src(%dma_wait3A_456 : memref<1000000x128xf32, #tpu.memory_space<hbm>>) dst(%dma_wait3A_450 : memref<32x128xf32, #tpu.memory_space<vmem>>)
      %dma_wait3A_457 = arith.constant 160 : i32
      %dma_wait3A_458 = arith.constant 0 : i32
      %dma_wait3A_459 = tpu.memref_slice %arg7[%dma_wait3A_457, %dma_wait3A_458] : memref<320x128xf32, #tpu.memory_space<vmem>> -> memref<32x128xf32, #tpu.memory_space<vmem>>
      %dma_wait3A_460 = arith.constant 0 : i32
      %dma_wait3A_461 = tpu.memref_slice %arg5[%add3A_243, %dma_wait3A_460] : memref<200x32xi32, #tpu.memory_space<vmem>> -> memref<1x32xi32, #tpu.memory_space<vmem>>
      %dma_wait3A_462 = tpu.memref_squeeze %dma_wait3A_461 : memref<1x32xi32, #tpu.memory_space<vmem>> -> memref<32xi32, #tpu.memory_space<vmem>>
      %dma_wait3A_463 = arith.constant 0 : i32
      %dma_wait3A_464 = arith.constant 0 : i32
      %dma_wait3A_465 = tpu.memref_slice %arg3[%dma_wait3A_463, %dma_wait3A_464] : memref<1000000x128xf32, #tpu.memory_space<hbm>> -> memref<1000000x128xf32, #tpu.memory_space<hbm>>
      tpu.wait_indirect_dma semaphore(%arg9 : memref<!tpu.dma_semaphore, #tpu.memory_space<semaphore_mem>>) src(%dma_wait3A_465 : memref<1000000x128xf32, #tpu.memory_space<hbm>>) dst(%dma_wait3A_459 : memref<32x128xf32, #tpu.memory_space<vmem>>)
      %dma_wait3A_466 = arith.constant 192 : i32
      %dma_wait3A_467 = arith.constant 0 : i32
      %dma_wait3A_468 = tpu.memref_slice %arg7[%dma_wait3A_466, %dma_wait3A_467] : memref<320x128xf32, #tpu.memory_space<vmem>> -> memref<32x128xf32, #tpu.memory_space<vmem>>
      %dma_wait3A_469 = arith.constant 0 : i32
      %dma_wait3A_470 = tpu.memref_slice %arg5[%add3A_256, %dma_wait3A_469] : memref<200x32xi32, #tpu.memory_space<vmem>> -> memref<1x32xi32, #tpu.memory_space<vmem>>
      %dma_wait3A_471 = tpu.memref_squeeze %dma_wait3A_470 : memref<1x32xi32, #tpu.memory_space<vmem>> -> memref<32xi32, #tpu.memory_space<vmem>>
      %dma_wait3A_472 = arith.constant 0 : i32
      %dma_wait3A_473 = arith.constant 0 : i32
      %dma_wait3A_474 = tpu.memref_slice %arg3[%dma_wait3A_472, %dma_wait3A_473] : memref<1000000x128xf32, #tpu.memory_space<hbm>> -> memref<1000000x128xf32, #tpu.memory_space<hbm>>
      tpu.wait_indirect_dma semaphore(%arg9 : memref<!tpu.dma_semaphore, #tpu.memory_space<semaphore_mem>>) src(%dma_wait3A_474 : memref<1000000x128xf32, #tpu.memory_space<hbm>>) dst(%dma_wait3A_468 : memref<32x128xf32, #tpu.memory_space<vmem>>)
      %dma_wait3A_475 = arith.constant 224 : i32
      %dma_wait3A_476 = arith.constant 0 : i32
      %dma_wait3A_477 = tpu.memref_slice %arg7[%dma_wait3A_475, %dma_wait3A_476] : memref<320x128xf32, #tpu.memory_space<vmem>> -> memref<32x128xf32, #tpu.memory_space<vmem>>
      %dma_wait3A_478 = arith.constant 0 : i32
      %dma_wait3A_479 = tpu.memref_slice %arg5[%add3A_269, %dma_wait3A_478] : memref<200x32xi32, #tpu.memory_space<vmem>> -> memref<1x32xi32, #tpu.memory_space<vmem>>
      %dma_wait3A_480 = tpu.memref_squeeze %dma_wait3A_479 : memref<1x32xi32, #tpu.memory_space<vmem>> -> memref<32xi32, #tpu.memory_space<vmem>>
      %dma_wait3A_481 = arith.constant 0 : i32
      %dma_wait3A_482 = arith.constant 0 : i32
      %dma_wait3A_483 = tpu.memref_slice %arg3[%dma_wait3A_481, %dma_wait3A_482] : memref<1000000x128xf32, #tpu.memory_space<hbm>> -> memref<1000000x128xf32, #tpu.memory_space<hbm>>
      tpu.wait_indirect_dma semaphore(%arg9 : memref<!tpu.dma_semaphore, #tpu.memory_space<semaphore_mem>>) src(%dma_wait3A_483 : memref<1000000x128xf32, #tpu.memory_space<hbm>>) dst(%dma_wait3A_477 : memref<32x128xf32, #tpu.memory_space<vmem>>)
      %dma_wait3A_484 = arith.constant 256 : i32
      %dma_wait3A_485 = arith.constant 0 : i32
      %dma_wait3A_486 = tpu.memref_slice %arg7[%dma_wait3A_484, %dma_wait3A_485] : memref<320x128xf32, #tpu.memory_space<vmem>> -> memref<32x128xf32, #tpu.memory_space<vmem>>
      %dma_wait3A_487 = arith.constant 0 : i32
      %dma_wait3A_488 = tpu.memref_slice %arg5[%add3A_282, %dma_wait3A_487] : memref<200x32xi32, #tpu.memory_space<vmem>> -> memref<1x32xi32, #tpu.memory_space<vmem>>
      %dma_wait3A_489 = tpu.memref_squeeze %dma_wait3A_488 : memref<1x32xi32, #tpu.memory_space<vmem>> -> memref<32xi32, #tpu.memory_space<vmem>>
      %dma_wait3A_490 = arith.constant 0 : i32
      %dma_wait3A_491 = arith.constant 0 : i32
      %dma_wait3A_492 = tpu.memref_slice %arg3[%dma_wait3A_490, %dma_wait3A_491] : memref<1000000x128xf32, #tpu.memory_space<hbm>> -> memref<1000000x128xf32, #tpu.memory_space<hbm>>
      tpu.wait_indirect_dma semaphore(%arg9 : memref<!tpu.dma_semaphore, #tpu.memory_space<semaphore_mem>>) src(%dma_wait3A_492 : memref<1000000x128xf32, #tpu.memory_space<hbm>>) dst(%dma_wait3A_486 : memref<32x128xf32, #tpu.memory_space<vmem>>)
      %dma_wait3A_493 = arith.constant 288 : i32
      %dma_wait3A_494 = arith.constant 0 : i32
      %dma_wait3A_495 = tpu.memref_slice %arg7[%dma_wait3A_493, %dma_wait3A_494] : memref<320x128xf32, #tpu.memory_space<vmem>> -> memref<32x128xf32, #tpu.memory_space<vmem>>
      %dma_wait3A_496 = arith.constant 0 : i32
      %dma_wait3A_497 = tpu.memref_slice %arg5[%add3A_295, %dma_wait3A_496] : memref<200x32xi32, #tpu.memory_space<vmem>> -> memref<1x32xi32, #tpu.memory_space<vmem>>
      %dma_wait3A_498 = tpu.memref_squeeze %dma_wait3A_497 : memref<1x32xi32, #tpu.memory_space<vmem>> -> memref<32xi32, #tpu.memory_space<vmem>>
      %dma_wait3A_499 = arith.constant 0 : i32
      %dma_wait3A_500 = arith.constant 0 : i32
      %dma_wait3A_501 = tpu.memref_slice %arg3[%dma_wait3A_499, %dma_wait3A_500] : memref<1000000x128xf32, #tpu.memory_space<hbm>> -> memref<1000000x128xf32, #tpu.memory_space<hbm>>
      tpu.wait_indirect_dma semaphore(%arg9 : memref<!tpu.dma_semaphore, #tpu.memory_space<semaphore_mem>>) src(%dma_wait3A_501 : memref<1000000x128xf32, #tpu.memory_space<hbm>>) dst(%dma_wait3A_495 : memref<32x128xf32, #tpu.memory_space<vmem>>)
      %mul3A_502 = arith.constant 320 : i32
      %mul3A_503 = arith.muli %add3A_411, %mul3A_502 : i32
      %add3A_504 = arith.addi %mul3A_2, %mul3A_503 : i32
      %dma_start3A_505 = arith.constant 0 : i32
      %dma_start3A_506 = arith.constant 0 : i32
      %dma_start3A_507 = tpu.memref_slice %arg7[%dma_start3A_505, %dma_start3A_506] : memref<320x128xf32, #tpu.memory_space<vmem>> -> memref<320x64xf32, #tpu.memory_space<vmem>>
      %dma_start3A_508 = arith.constant 0 : i32
      %dma_start3A_509 = tpu.memref_slice %arg4[%add3A_504, %dma_start3A_508] : memref<204800x64xf32, #tpu.memory_space<hbm>> -> memref<320x64xf32, #tpu.memory_space<hbm>>
      %dma_start3A_510 = arith.constant 0 : i32
      %dma_start3A_511 = tpu.memref_slice %arg4[%add3A_504, %dma_start3A_510] : memref<204800x64xf32, #tpu.memory_space<hbm>> -> memref<320x64xf32, #tpu.memory_space<hbm>>
      %dma_start3A_512 = arith.constant 0 : i32
      %dma_start3A_513 = arith.constant 0 : i32
      %dma_start3A_514 = tpu.memref_slice %arg7[%dma_start3A_512, %dma_start3A_513] : memref<320x128xf32, #tpu.memory_space<vmem>> -> memref<320x64xf32, #tpu.memory_space<vmem>>
      tpu.enqueue_dma source(%dma_start3A_514 : memref<320x64xf32, #tpu.memory_space<vmem>>) target(%dma_start3A_511 : memref<320x64xf32, #tpu.memory_space<hbm>>) target_semaphore(%arg11 : memref<!tpu.dma_semaphore, #tpu.memory_space<semaphore_mem>>)
    }
    %scan3A_6 = arith.constant 10 : i32
    %add3A_7 = arith.constant 5760 : i32
    %add3A_8 = arith.addi %mul3A_2, %add3A_7 : i32
    %dma_wait3A = arith.constant 0 : i32
    %dma_wait3A_9 = arith.constant 0 : i32
    %dma_wait3A_10 = tpu.memref_slice %arg6[%dma_wait3A, %dma_wait3A_9] : memref<320x128xf32, #tpu.memory_space<vmem>> -> memref<320x64xf32, #tpu.memory_space<vmem>>
    %dma_wait3A_11 = arith.constant 0 : i32
    %dma_wait3A_12 = tpu.memref_slice %arg4[%add3A_8, %dma_wait3A_11] : memref<204800x64xf32, #tpu.memory_space<hbm>> -> memref<320x64xf32, #tpu.memory_space<hbm>>
    %dma_wait3A_13 = arith.constant 0 : i32
    %dma_wait3A_14 = tpu.memref_slice %arg4[%add3A_8, %dma_wait3A_13] : memref<204800x64xf32, #tpu.memory_space<hbm>> -> memref<320x64xf32, #tpu.memory_space<hbm>>
    %dma_wait3A_15 = arith.constant 0 : i32
    %dma_wait3A_16 = arith.constant 0 : i32
    %dma_wait3A_17 = tpu.memref_slice %arg6[%dma_wait3A_15, %dma_wait3A_16] : memref<320x128xf32, #tpu.memory_space<vmem>> -> memref<320x64xf32, #tpu.memory_space<vmem>>
    tpu.wait_dma2 semaphore(%arg10 : memref<!tpu.dma_semaphore, #tpu.memory_space<semaphore_mem>>) src(%dma_wait3A_17 : memref<320x64xf32, #tpu.memory_space<vmem>>) dst(%dma_wait3A_14 : memref<320x64xf32, #tpu.memory_space<hbm>>)
    %add3A_18 = arith.constant 6080 : i32
    %add3A_19 = arith.addi %mul3A_2, %add3A_18 : i32
    %dma_wait3A_20 = arith.constant 0 : i32
    %dma_wait3A_21 = arith.constant 0 : i32
    %dma_wait3A_22 = tpu.memref_slice %arg7[%dma_wait3A_20, %dma_wait3A_21] : memref<320x128xf32, #tpu.memory_space<vmem>> -> memref<320x64xf32, #tpu.memory_space<vmem>>
    %dma_wait3A_23 = arith.constant 0 : i32
    %dma_wait3A_24 = tpu.memref_slice %arg4[%add3A_19, %dma_wait3A_23] : memref<204800x64xf32, #tpu.memory_space<hbm>> -> memref<320x64xf32, #tpu.memory_space<hbm>>
    %dma_wait3A_25 = arith.constant 0 : i32
    %dma_wait3A_26 = tpu.memref_slice %arg4[%add3A_19, %dma_wait3A_25] : memref<204800x64xf32, #tpu.memory_space<hbm>> -> memref<320x64xf32, #tpu.memory_space<hbm>>
    %dma_wait3A_27 = arith.constant 0 : i32
    %dma_wait3A_28 = arith.constant 0 : i32
    %dma_wait3A_29 = tpu.memref_slice %arg7[%dma_wait3A_27, %dma_wait3A_28] : memref<320x128xf32, #tpu.memory_space<vmem>> -> memref<320x64xf32, #tpu.memory_space<vmem>>
    tpu.wait_dma2 semaphore(%arg11 : memref<!tpu.dma_semaphore, #tpu.memory_space<semaphore_mem>>) src(%dma_wait3A_29 : memref<320x64xf32, #tpu.memory_space<vmem>>) dst(%dma_wait3A_26 : memref<320x64xf32, #tpu.memory_space<hbm>>)
    return
  }
}

</mosaic_0001>

<sc_bundles>
// kernel: kernel.3.cloned.1.call-start
scs
__scs_entry_jumppad:
0x0: {  	(pc) =	sbr.rel $0x88, $3  }
0x1: {  	(tag) =	ssettag $0x0;
	lr =	simm.s32 $0x1  }
0x2: {  	[smem:$0x3F9F] =	sst lr;
	_ =	strace $0xD0000000  }
0x3: {  	_ = 	snop  }
0x4: {  	_ = 	snop  }
0x5: {  	_ = 	snop  }
0x6: {  	_ = 	snop  }
0x7: {  	_ = 	snop  }
__scs_overlays_trampoline_lowered:
0x8: {  	[smem:$0x3FAE] =	sst s0  }
0x9: {  	[smem:$0x3FAF] =	sst s1  }
0xa: {  	[smem:$0x3FB0] =	sst s2  }
0xb: {  	[smem:$0x3FB1] =	sst s3  }
0xc: {  	[smem:$0x3FB2] =	sst s4  }
0xd: {  	[smem:$0x3FB3] =	sst s5  }
0xe: {  	[smem:$0x3FB4] =	sst s6  }
0xf: {  	[smem:$0x3FB5] =	sst s7  }
0x10: {  	[smem:$0x3FB6] =	sst s8  }
0x11: {  	[smem:$0x3FB7] =	sst s9;
	s0 =	simm.s32 @!p0 $0x0  }
0x12: {  	s1 =	sld [smem:$0x3F9D];
	s0 =	simm.s32 @p0 $0x1  }
0x13: {  	[smem:$0x3FB8] =	sst s0;
	s0 =	simm.s32 @!p1 $0x0  }
0x14: {  	s2 =	sld [smem:$0x3F9C];
	s0 =	simm.s32 @p1 $0x1  }
0x15: {  	[smem:$0x3FB9] =	sst s0;
	s0 =	simm.s32 @!p2 $0x0  }
0x16: {  	s3 =	sld [smem:$0x3FDB];
	s0 =	simm.s32 @p2 $0x1  }
0x17: {  	s4 =	simm.s32 $0x1BF5;
	[smem:$0x3FBB] =	sst s0  }
0x18: {  	s0 =	sld [smem:$0x3F9E];
	_ =	swait.ge [sflag:s4], $0x0  }
0x19: {  	s7 =	sld [smem:$0x3F9F]  }
0x1a: {  	s8 =	sadd.s32 $0xFFFFE003, lr  }
0x1b: {  	s9 =	sadd.s32 $0xFFFFFEF7, lr;
	s5 =	simm.s32 $0xFFFFFFFF;
	p2 =	slt.u32 s8, $0xFFFFF086  }
0x1c: {  	p1 =	slt.u32 s9, $0xF7A;
	s5 =	simm.s32 @!p2 $0x0  }
0x1d: {  	s5 =	simm.s32 @p1 $0x1;
	p0 =	seq.s32 s7, s2  }
0x1e: {  	s7 =	smul.u32 @!p0 $0xF7A, s2;
	p2 =	seq.s32 @!p0 s5, $0x0  }
0x1f: {  	s9 =	smul.u32 $0xF7A, s1;
	s8 =	simm.s32 @!p0 $0x1BF5;
	p2 =	por !p2, p0  }
0x20: {  	[sflag:s8] =	ssyncset.s32 @!p0 $0xFFFFF086;
	s6 =	sadd.s32 @!p0 s3, s7;
	s7 =	simm.s32 @!p0 $0x108  }
0x21: {  	s3 =	sadd.s32 s3, s9;
	s6 =	sadd.s32 @!p0 $0x88, s6;
	s7 =	simm.s32 @p2 $0x1082  }
0x22: {  	[simem:s7], [sflag:s8] =	dma.local @!p0 [hbm:s6], $0xF7A  }
0x23: {  	s9 =	sor.u32 $0xD0000000, s2;
	s6 =	simm.s32 $0x108;
	_ =	swait.ge @!p0 [sflag:s8], $0x0  }
0x24: {  	s3 =	sadd.s32 $0x88, s3;
	s6 =	simm.s32 @!p1 $0x1082;
	[sflag:s4] =	ssyncset.s32 $0xFFFFF086  }
0x25: {  	[simem:s6], [sflag:s4] =	dma.local [hbm:s3], $0xF7A  }
0x26: {  	[smem:$0x3F9F] =	sst s1;
	(tag) =	ssettag s2;
	_ =	strace s9  }
0x27: {  	s1 =	sld [smem:$0x3FAF]  }
0x28: {  	s2 =	sld [smem:$0x3FB0]  }
0x29: {  	s4 =	sld [smem:$0x3FB2]  }
0x2a: {  	p0 =	seq.s32 s5, $0x0;
	s5 =	sld [smem:$0x3FB3]  }
0x2b: {  	s6 =	sld [smem:$0x3FB4]  }
0x2c: {  	s7 =	sld [smem:$0x3FB5]  }
0x2d: {  	s3 =	simm.s32 $0x108;
	s8 =	sld [smem:$0x3FB6]  }
0x2e: {  	s3 =	simm.s32 @!p0 $0x1082;
	s9 =	sld [smem:$0x3FB7]  }
0x2f: {  	lr =	sadd.s32 s0, s3;
	s0 =	sld [smem:$0x3FAE]  }
0x30: {  	s3 =	sld [smem:$0x3FB1]  }
0x31: {  	[smem:$0x3FBA] =	sst s10  }
0x32: {  	s10 =	sld [smem:$0x3FB8];
	_ =	sdelay $0x3  }
0x33: {  	p0 =	seq.s32 s10, $0x1;
	s10 =	sld [smem:$0x3FBA];
	_ =	sdelay $0x3  }
0x34: {  	[smem:$0x3FBA] =	sst s10  }
0x35: {  	s10 =	sld [smem:$0x3FB9];
	_ =	sdelay $0x3  }
0x36: {  	p1 =	seq.s32 s10, $0x1;
	s10 =	sld [smem:$0x3FBA];
	_ =	sdelay $0x3  }
0x37: {  	[smem:$0x3FBA] =	sst s10  }
0x38: {  	s10 =	sld [smem:$0x3FBB]  }
0x39: {  	_ = 	snop;
	(pc) =	sbr.ind lr, $3  }
0x3a: {  	_ = 	snop  }
0x3b: {  	_ = 	snop  }
0x3c: {  	p2 =	seq.s32 s10, $0x1;
	s10 =	sld [smem:$0x3FBA]  }
0x3d: {  	_ =	shalt  }
0x3e: {  	_ =	shalt  }
0x3f: {  	_ =	shalt  }
0x40: {  	_ =	shalt  }
0x41: {  	_ =	shalt  }
0x42: {  	_ =	shalt  }
0x43: {  	_ =	shalt  }
0x44: {  	_ =	shalt  }
0x45: {  	_ =	shalt  }
0x46: {  	_ =	shalt  }
0x47: {  	_ =	shalt  }
0x48: {  	_ =	shalt  }
0x49: {  	_ =	shalt  }
0x4a: {  	_ =	shalt  }
0x4b: {  	_ =	shalt  }
0x4c: {  	_ =	shalt  }
0x4d: {  	_ =	shalt  }
0x4e: {  	_ =	shalt  }
0x4f: {  	_ =	shalt  }
0x50: {  	_ =	shalt  }
0x51: {  	_ =	shalt  }
0x52: {  	_ =	shalt  }
0x53: {  	_ =	shalt  }
0x54: {  	_ =	shalt  }
0x55: {  	_ =	shalt  }
0x56: {  	_ =	shalt  }
0x57: {  	_ =	shalt  }
0x58: {  	_ =	shalt  }
0x59: {  	_ =	shalt  }
0x5a: {  	_ =	shalt  }
0x5b: {  	_ =	shalt  }
0x5c: {  	_ =	shalt  }
0x5d: {  	_ =	shalt  }
0x5e: {  	_ =	shalt  }
0x5f: {  	_ =	shalt  }
0x60: {  	_ =	shalt  }
0x61: {  	_ =	shalt  }
0x62: {  	_ =	shalt  }
0x63: {  	_ =	shalt  }
0x64: {  	_ =	shalt  }
0x65: {  	_ =	shalt  }
0x66: {  	_ =	shalt  }
0x67: {  	_ =	shalt  }
0x68: {  	_ =	shalt  }
0x69: {  	_ =	shalt  }
0x6a: {  	_ =	shalt  }
0x6b: {  	_ =	shalt  }
0x6c: {  	_ =	shalt  }
0x6d: {  	_ =	shalt  }
0x6e: {  	_ =	shalt  }
0x6f: {  	_ =	shalt  }
0x70: {  	_ =	shalt  }
0x71: {  	_ =	shalt  }
0x72: {  	_ =	shalt  }
0x73: {  	_ =	shalt  }
0x74: {  	_ =	shalt  }
0x75: {  	_ =	shalt  }
0x76: {  	_ =	shalt  }
0x77: {  	_ =	shalt  }
0x78: {  	_ =	shalt  }
0x79: {  	_ =	shalt  }
0x7a: {  	_ =	shalt  }
0x7b: {  	_ =	shalt  }
0x7c: {  	_ =	shalt  }
0x7d: {  	_ =	shalt  }
0x7e: {  	_ =	shalt  }
0x7f: {  	_ =	shalt  }
0x80: {  	_ =	shalt  }
0x81: {  	_ =	shalt  }
0x82: {  	_ =	shalt  }
0x83: {  	_ =	shalt  }
0x84: {  	_ =	shalt  }
0x85: {  	_ =	shalt  }
0x86: {  	_ =	shalt  }
0x87: {  	_ =	shalt  }
.Lfunc_end0:
.L_simem_size_0:
called_computation.1_lowered:
.L_overlay_start_0:
0x88: {  	s2 =	sld [smem:$0x3FD9]  }
0x89: {  	s3 =	sld [smem:$0x3FFE];
	_ =	sdelay $0x1  }
0x8a: {  	s1 =	srdreg.scid  }
0x8b: {  	s0 =	sand.u32 $0x1, s1  }
0x8c: {  	s17 =	sshll.u32 s0, $0xA;
	s2 =	sadd.s32 s3, s2  }
0x8d: {  	s2 =	sadd.s32 s2, s17  }
0x8e: {  	[smem:$0x3FC6] =	sst s2  }
0x8f: {  	_ = 	snop  }
0x90: {  	s2 =	sld [smem:$0x3FD0];
	(tm) =	ssettm $0x1  }
0x91: {  	s18 =	sld [smem:$0x3FFB];
	_ =	sdelay $0x3  }
0x92: {  	_ =	strace s18  }
0x93: {  	s3 =	sld [smem:$0x3FFC];
	_ =	sdelay $0x3  }
0x94: {  	_ =	strace s3  }
0x95: {  	s3 =	sld [smem:$0x3FFD];
	_ =	sdelay $0x3  }
0x96: {  	_ =	strace s3  }
0x97: {  	_ =	strace $0x8FFFFFFF  }
0x98: {  	s19 =	sld [smem:$0x3FDB];
	_ =	sdelay $0x1  }
0x99: {  	s4 =	simm.s32 $_scs_section_size  }
0x9a: {  	s5 =	simm.s32 $_size__tile_overlayer_lowered;
	s6 =	simm.s32 $_tile_overlayer_lowered  }
0x9b: {  	s22 =	simm.s32 $0x1BFF;
	s21 =	sshll.u32 s6, $0x1;
	s3 =	sadd.s32 s4, s19  }
0x9c: {  	s7 =	simm.s32 $0x0;
	s20 =	sshll.u32 s5, $0x1;
	s5 =	sadd.s32 s21, s3  }
0x9d: {  	[timem:s7], [sflag:s22] =	dma.local [hbm:s5], s20  }
0x9e: {  	_ =	swait.ge [sflag:s22], s20  }
0x9f: {  	s4 =	ssub.s32 $0x0, s20;
	[sflag:s22] =	ssyncset.done $0x0  }
0xa0: {  	[sflag:s22] =	ssyncadd.s32 s4;
	_ =	sdelay $0x1  }
0xa1: {  	s23 =	simm.s32 $0x1B8B  }
0xa2: {  	_ =	swait.ge [sflag:s23], $0x1  }
0xa3: {  	[sflag:s23] =	ssyncset.done $0x0  }
0xa4: {  	s25 =	simm.s32 $0x1B8E;
	s24 =	sld [smem:$0x3FFE];
	[sflag:s23] =	ssyncadd.s32 $0xFFFFFFFF  }
0xa5: {  	s26 =	simm.s32 $execute0_lowered;
	[smem:$0x3FD2] =	sst s25  }
0xa6: {  	s5 =	sshll.u32 s26, $0x1;
	_ =	strace $0x80000046;
	[dreg:$0x1] =	wrdreg $0xFFFFFFFF  }
0xa7: {  	s28 =	simm.s32 $_size_execute0_lowered;
	s3 =	sadd.s32 s3, s5;
	[dreg:$0x0] =	wrdreg $0x0  }
0xa8: {  	s5 =	sshll.u32 s28, $0x1;
	[dreg:$0x2] =	wrdreg s3  }
0xa9: {  	[dreg:$0x3] =	wrdreg s5  }
0xaa: {  	[dreg:$0x4] =	wrdreg $0xC0  }
0xab: {  	_ =	task [dreg:s7], $0x5FFFF  }
0xac: {  	[dreg:$0x1] =	wrdreg $0xFFFFFFFF  }
0xad: {  	[dreg:$0x0] =	wrdreg $0x60  }
0xae: {  	[dreg:$0x2] =	wrdreg s24  }
0xaf: {  	[dreg:$0x3] =	wrdreg s2  }
0xb0: {  	[dreg:$0x4] =	wrdreg $0x9  }
0xb1: {  	_ =	task.clear_ibuf [dreg:s7], $0x5FFFF;
	_ =	strace $0x90000046  }
0xb2: {  	s29 =	simm.s32 $0x9;
	_ =	strace $0x80000048  }
0xb3: {  	_ =	swait.ge [sflag:s29], $0x1  }
0xb4: {  	[sflag:s29] =	ssyncadd.s32 $0xFFFFFFFF  }
0xb5: {  	_ =	strace $0x90000048  }
0xb6: {  	_ =	sfence  }
0xb7: {  	s30 =	sld [smem:$0x0];
	_ =	sdelay $0x2  }
0xb8: {  	s31 =	sshll.u32 s1, $0xD;
	s1 =	sshrl.u32 s1, $0x2  }
0xb9: {  	s3 =	sand.u32 $0x4000, s31;
	s1 =	sadd.s32 s1, s30  }
0xba: {  	s0 =	sor.u32 s3, s0;
	s1 =	sshll.u32 s1, $0x11  }
0xbb: {  	s0 =	sor.u32 s1, s0  }
0xbc: {  	s0 =	sadd.s32 $0x8F2B, s0  }
0xbd: {  	[sflag:s0] =	ssyncadd.remote.s32 $0x1  }
0xbe: {  	_ =	sfence.sel $0xFFFF  }
0xbf: {  	[dreg:$0x0] =	wrdreg $0xFFFFFFFF;
	(pc) =	sbr.abs _section_cstart, $3  }
0xc0: {  	[dreg:$0x1] =	wrdreg $0xFFFFFFFF  }
0xc1: {  	_ =	task.clear_ibuf [dreg:s7], $0x2FFFF;
	_ =	strace $0x9FFFFFFF  }
0xc2: {  	(tm) =	ssettm $0x7FFFFFFF  }
0xc3: {  	_ =	shalt  }
tec
execute0_lowered:
.L_overlay_start_1:
0x0: {  	(tag) =	ssettag $0x1  }
0x1: {  	s0 =	srdreg.scid  }
0x2: {  	s1 =	stileid.u32;
	s5 =	rddreg [dreg:$0x0]  }
0x3: {  	s2 =	rddreg [dreg:$0x1];
	s4 =	simm.s32 $0x0;
	s9 =	simm.s32 $0x20  }
0x4: {  	s13 =	simm.s32 $0x4900;
	s14 =	simm.s32 $0x5900;
	s15 =	simm.s32 $0x6900  }
0x5: {  	s16 =	simm.s32 $0x7900;
	s17 =	simm.s32 $0x8900;
	s18 =	simm.s32 $0x9900  }
0x6: {  	s19 =	simm.s32 $0xA900;
	s20 =	simm.s32 $0xB900;
	s21 =	simm.s32 $0xC900  }
0x7: {  	s22 =	simm.s32 $0xD900;
	s23 =	simm.s32 $0xE900;
	s24 =	simm.s32 $0xF900  }
0x8: {  	s25 =	simm.s32 $0x10900;
	s0 =	sand.u32 $0x1, s0;
	s1 =	sshll.u32 s1, $0x1  }
0x9: {  	s26 =	simm.s32 $0x11900;
	s28 =	simm.s32 $0x12900;
	s1 =	sor.u32 s0, s1  }
0xa: {  	s29 =	simm.s32 $0x13900;
	s0 =	ssub.s32 $0x2, s0;
	s3 =	smul.u32 $0x1900, s1  }
0xb: {  	s30 =	simm.s32 $0x14900;
	s31 =	simm.s32 $0x1;
	s6 =	sshrl.u32 s0, $0x1  }
0xc: {  	s7 =	simm.s32 $0x0;
	s0 =	ssub.s32 s0, s6;
	s1 =	sshrl.u32 s3, $0x3  }
0xd: {  	[smem:$0x7FF] =	sst s4;
	s0 =	smax.u32 s0, $0x1;
	s1 =	sadd.s32 s1, s5  }
0xe: {  	_ =	strace $0x80000047;
	[dreg:$0x4] =	wrdreg s0;
	s1 =	sadd.s32 $0xF42E00, s1  }
0xf: {  	s5 =	sadd.s32 $0xF49200, s5;
	[dreg:$0x3] =	wrdreg s1;
	s1 =	simm.s32 $0x2  }
.LBB2_1:
0x10: {  	[dreg:$0x5] =	wrdreg s7  }
0x11: {  	s0 =	rddreg [dreg:$0x3];
	s12 =	simm.s32 $0x5  }
0x12: {  	[tilespmem:s4], [sflag:$0x5] =	stream.linear.gather [hbm4b:s0+s4], $0x1900, $0x38;
	[tilespmem:$0x15900] =	vst v63  }
0x13: {  	_ =	swait.ge [sflag:s12], $0x1900  }
0x14: {  	[sflag:s12] =	ssyncset.done $0x0  }
0x15: {  	s8 =	simm.s32 $0x0;
	[sflag:s12] =	ssyncadd.s32 $0xFFFFE700  }
.LBB2_2:
0x16: {  	p0 =	seq.s32 s8, $0x0  }
0x17: {  	s0 =	simm.s32 @!p0 $0x3  }
0x18: {  	s6 =	smul.u32 $0xA00, s8;
	_ =	swait.ge @!p0 [sflag:s0], $0x5000  }
0x19: {  	[sflag:s0] =	ssyncset.done @!p0 $0x0  }
0x1a: {  	s11 =	simm.s32 $0x1900;
	[sflag:s0] =	ssyncadd.s32 @!p0 $0xFFFFB000;
	s0 =	sshra.s32 s6, $0x2  }
0x1b: {  	[tilespmem:s11], [sflag:$0x1] =	stream.indirect.gather [hbm4b:s5+s9], $0x80, s0, s9, $0xb8;
	[tilespmem:$0x15900] =	vst v63  }
0x1c: {  	s7 =	simm.s32 $0x2900;
	s12 =	sor.u32 $0x20, s0  }
0x1d: {  	[tilespmem:s7], [sflag:$0x1] =	stream.indirect.gather [hbm4b:s5+s9], $0x80, s12, s9, $0xb8;
	[tilespmem:$0x15900] =	vst v63  }
0x1e: {  	s10 =	simm.s32 $0x3900;
	s7 =	sor.u32 $0x40, s0  }
0x1f: {  	[tilespmem:s10], [sflag:$0x1] =	stream.indirect.gather [hbm4b:s5+s9], $0x80, s7, s9, $0xb8;
	[tilespmem:$0x15900] =	vst v63  }
0x20: {  	s11 =	sor.u32 $0x60, s0  }
0x21: {  	[tilespmem:s13], [sflag:$0x1] =	stream.indirect.gather [hbm4b:s5+s9], $0x80, s11, s9, $0xb8;
	[tilespmem:$0x15900] =	vst v63  }
0x22: {  	s12 =	sadd.s32 $0x80, s0  }
0x23: {  	[tilespmem:s14], [sflag:$0x1] =	stream.indirect.gather [hbm4b:s5+s9], $0x80, s12, s9, $0xb8;
	[tilespmem:$0x15900] =	vst v63  }
0x24: {  	s7 =	sadd.s32 $0xA0, s0  }
0x25: {  	[tilespmem:s15], [sflag:$0x1] =	stream.indirect.gather [hbm4b:s5+s9], $0x80, s7, s9, $0xb8;
	[tilespmem:$0x15900] =	vst v63  }
0x26: {  	s10 =	sadd.s32 $0xC0, s0  }
0x27: {  	[tilespmem:s16], [sflag:$0x1] =	stream.indirect.gather [hbm4b:s5+s9], $0x80, s10, s9, $0xb8;
	[tilespmem:$0x15900] =	vst v63  }
0x28: {  	s11 =	sadd.s32 $0xE0, s0  }
0x29: {  	[tilespmem:s17], [sflag:$0x1] =	stream.indirect.gather [hbm4b:s5+s9], $0x80, s11, s9, $0xb8;
	[tilespmem:$0x15900] =	vst v63  }
0x2a: {  	s12 =	sadd.s32 $0x100, s0  }
0x2b: {  	[tilespmem:s18], [sflag:$0x1] =	stream.indirect.gather [hbm4b:s5+s9], $0x80, s12, s9, $0xb8;
	[tilespmem:$0x15900] =	vst v63  }
0x2c: {  	s0 =	sadd.s32 $0x120, s0;
	s7 =	sshll.u32 s8, $0x1  }
0x2d: {  	[tilespmem:s19], [sflag:$0x1] =	stream.indirect.gather [hbm4b:s5+s9], $0x80, s0, s9, $0xb8;
	[tilespmem:$0x15900] =	vst v63  }
0x2e: {  	s6 =	simm.s32 @!p0 $0x4;
	s0 =	sor.u32 $0x1, s7  }
0x2f: {  	_ =	swait.ge @!p0 [sflag:s6], $0x5000;
	s10 =	smul.u32 $0x500, s0  }
0x30: {  	[sflag:s6] =	ssyncset.done @!p0 $0x0  }
0x31: {  	[sflag:s6] =	ssyncadd.s32 @!p0 $0xFFFFB000;
	s6 =	sshra.s32 s10, $0x2  }
0x32: {  	[tilespmem:s20], [sflag:$0x2] =	stream.indirect.gather [hbm4b:s5+s9], $0x80, s6, s9, $0xb8;
	[tilespmem:$0x15900] =	vst v63  }
0x33: {  	s7 =	sor.u32 $0x20, s6  }
0x34: {  	[tilespmem:s21], [sflag:$0x2] =	stream.indirect.gather [hbm4b:s5+s9], $0x80, s7, s9, $0xb8;
	[tilespmem:$0x15900] =	vst v63  }
0x35: {  	s11 =	sadd.s32 $0x40, s6  }
0x36: {  	[tilespmem:s22], [sflag:$0x2] =	stream.indirect.gather [hbm4b:s5+s9], $0x80, s11, s9, $0xb8;
	[tilespmem:$0x15900] =	vst v63  }
0x37: {  	s12 =	sadd.s32 $0x60, s6  }
0x38: {  	[tilespmem:s23], [sflag:$0x2] =	stream.indirect.gather [hbm4b:s5+s9], $0x80, s12, s9, $0xb8;
	[tilespmem:$0x15900] =	vst v63  }
0x39: {  	s10 =	sadd.s32 $0x80, s6  }
0x3a: {  	[tilespmem:s24], [sflag:$0x2] =	stream.indirect.gather [hbm4b:s5+s9], $0x80, s10, s9, $0xb8;
	[tilespmem:$0x15900] =	vst v63  }
0x3b: {  	s11 =	sadd.s32 $0xA0, s6  }
0x3c: {  	[tilespmem:s25], [sflag:$0x2] =	stream.indirect.gather [hbm4b:s5+s9], $0x80, s11, s9, $0xb8;
	[tilespmem:$0x15900] =	vst v63  }
0x3d: {  	s12 =	sadd.s32 $0xC0, s6  }
0x3e: {  	[tilespmem:s26], [sflag:$0x2] =	stream.indirect.gather [hbm4b:s5+s9], $0x80, s12, s9, $0xb8;
	[tilespmem:$0x15900] =	vst v63  }
0x3f: {  	s10 =	sadd.s32 $0xE0, s6  }
0x40: {  	[tilespmem:s28], [sflag:$0x2] =	stream.indirect.gather [hbm4b:s5+s9], $0x80, s10, s9, $0xb8;
	[tilespmem:$0x15900] =	vst v63  }
0x41: {  	s11 =	sadd.s32 $0x100, s6  }
0x42: {  	[tilespmem:s29], [sflag:$0x2] =	stream.indirect.gather [hbm4b:s5+s9], $0x80, s11, s9, $0xb8;
	[tilespmem:$0x15900] =	vst v63  }
0x43: {  	s6 =	sadd.s32 $0x120, s6  }
0x44: {  	[tilespmem:s30], [sflag:$0x2] =	stream.indirect.gather [hbm4b:s5+s9], $0x80, s6, s9, $0xb8;
	[tilespmem:$0x15900] =	vst v63  }
0x45: {  	_ =	swait.ge [sflag:s31], $0x1000  }
0x46: {  	[sflag:s31] =	ssyncset.done $0x0  }
0x47: {  	[sflag:s31] =	ssyncadd.s32 $0xFFFFF000  }
0x48: {  	_ =	swait.ge [sflag:s31], $0x1000  }
0x49: {  	[sflag:s31] =	ssyncset.done $0x0  }
0x4a: {  	[sflag:s31] =	ssyncadd.s32 $0xFFFFF000  }
0x4b: {  	_ =	swait.ge [sflag:s31], $0x1000  }
0x4c: {  	[sflag:s31] =	ssyncset.done $0x0  }
0x4d: {  	[sflag:s31] =	ssyncadd.s32 $0xFFFFF000  }
0x4e: {  	_ =	swait.ge [sflag:s31], $0x1000  }
0x4f: {  	[sflag:s31] =	ssyncset.done $0x0  }
0x50: {  	[sflag:s31] =	ssyncadd.s32 $0xFFFFF000  }
0x51: {  	_ =	swait.ge [sflag:s31], $0x1000  }
0x52: {  	[sflag:s31] =	ssyncset.done $0x0  }
0x53: {  	[sflag:s31] =	ssyncadd.s32 $0xFFFFF000  }
0x54: {  	_ =	swait.ge [sflag:s31], $0x1000  }
0x55: {  	[sflag:s31] =	ssyncset.done $0x0  }
0x56: {  	[sflag:s31] =	ssyncadd.s32 $0xFFFFF000  }
0x57: {  	_ =	swait.ge [sflag:s31], $0x1000  }
0x58: {  	[sflag:s31] =	ssyncset.done $0x0  }
0x59: {  	[sflag:s31] =	ssyncadd.s32 $0xFFFFF000  }
0x5a: {  	_ =	swait.ge [sflag:s31], $0x1000  }
0x5b: {  	[sflag:s31] =	ssyncset.done $0x0  }
0x5c: {  	[sflag:s31] =	ssyncadd.s32 $0xFFFFF000  }
0x5d: {  	s12 =	smul.u32 $0x280, s8;
	_ =	swait.ge [sflag:s31], $0x1000  }
0x5e: {  	[sflag:s31] =	ssyncset.done $0x0  }
0x5f: {  	s6 =	sadd.s32 s3, s12;
	[sflag:s31] =	ssyncadd.s32 $0xFFFFF000  }
0x60: {  	s7 =	simm.s32 $0x1900;
	s6 =	sshll.u32 s6, $0x3;
	_ =	swait.ge [sflag:s31], $0x1000  }
0x61: {  	s10 =	simm.s32 $0x8;
	s6 =	sadd.s32 s2, s6;
	[sflag:s31] =	ssyncset.done $0x0  }
0x62: {  	s11 =	simm.s32 $0x1980;
	s12 =	sadd.s32 $0x0, s6;
	[sflag:s31] =	ssyncadd.s32 $0xFFFFF000  }
.LBB2_3:
0x63: {  	[hbm4b:s12+s4] =	stream.linear.scatter [tilespmem:s7], [sflag:$0x3], $0x40, $0x38;
	[tilespmem:$0x15900] =	vst v63  }
0x64: {  	s12 =	smov.u32 s10;
	s7 =	smov.u32 s11;
	p0 =	sne.s32 s10, $0x9F8  }
.Ltmp0:
0x65: {  	s10 =	sadd.s32 $0x8, s10;
	(pc) =	sbr.rel @p0 .LBB2_3-.Ltmp0, $2  }
0x66: {  	_ =	sdelay $0x2  }
0x67: {  	s11 =	sadd.s32 $0x80, s11;
	s12 =	sadd.s32 s12, s6  }
0x68: {  	[hbm4b:s12+s4] =	stream.linear.scatter [tilespmem:s7], [sflag:$0x3], $0x40, $0x38;
	[tilespmem:$0x15900] =	vst v63  }
0x69: {  	_ =	swait.ge [sflag:s1], $0x1000  }
0x6a: {  	[sflag:s1] =	ssyncset.done $0x0  }
0x6b: {  	[sflag:s1] =	ssyncadd.s32 $0xFFFFF000  }
0x6c: {  	_ =	swait.ge [sflag:s1], $0x1000  }
0x6d: {  	[sflag:s1] =	ssyncset.done $0x0  }
0x6e: {  	[sflag:s1] =	ssyncadd.s32 $0xFFFFF000  }
0x6f: {  	_ =	swait.ge [sflag:s1], $0x1000  }
0x70: {  	[sflag:s1] =	ssyncset.done $0x0  }
0x71: {  	[sflag:s1] =	ssyncadd.s32 $0xFFFFF000  }
0x72: {  	_ =	swait.ge [sflag:s1], $0x1000  }
0x73: {  	[sflag:s1] =	ssyncset.done $0x0  }
0x74: {  	[sflag:s1] =	ssyncadd.s32 $0xFFFFF000  }
0x75: {  	_ =	swait.ge [sflag:s1], $0x1000  }
0x76: {  	[sflag:s1] =	ssyncset.done $0x0  }
0x77: {  	[sflag:s1] =	ssyncadd.s32 $0xFFFFF000  }
0x78: {  	_ =	swait.ge [sflag:s1], $0x1000  }
0x79: {  	[sflag:s1] =	ssyncset.done $0x0  }
0x7a: {  	[sflag:s1] =	ssyncadd.s32 $0xFFFFF000  }
0x7b: {  	_ =	swait.ge [sflag:s1], $0x1000  }
0x7c: {  	[sflag:s1] =	ssyncset.done $0x0  }
0x7d: {  	[sflag:s1] =	ssyncadd.s32 $0xFFFFF000  }
0x7e: {  	_ =	swait.ge [sflag:s1], $0x1000  }
0x7f: {  	[sflag:s1] =	ssyncset.done $0x0  }
0x80: {  	s0 =	smul.u32 $0x140, s0;
	[sflag:s1] =	ssyncadd.s32 $0xFFFFF000  }
0x81: {  	_ =	swait.ge [sflag:s1], $0x1000  }
0x82: {  	s0 =	sadd.s32 s3, s0;
	[sflag:s1] =	ssyncset.done $0x0  }
0x83: {  	s0 =	sshll.u32 s0, $0x3;
	[sflag:s1] =	ssyncadd.s32 $0xFFFFF000  }
0x84: {  	s6 =	simm.s32 $0xB900;
	s0 =	sand.u32 $0x1FFFFE00, s0;
	_ =	swait.ge [sflag:s1], $0x1000  }
0x85: {  	s7 =	simm.s32 $0x8;
	s0 =	sadd.s32 s2, s0;
	[sflag:s1] =	ssyncset.done $0x0  }
0x86: {  	s10 =	simm.s32 $0xB980;
	s11 =	sadd.s32 $0x0, s0;
	[sflag:s1] =	ssyncadd.s32 $0xFFFFF000  }
.LBB2_5:
0x87: {  	[hbm4b:s11+s4] =	stream.linear.scatter [tilespmem:s6], [sflag:$0x4], $0x40, $0x38;
	[tilespmem:$0x15900] =	vst v63  }
0x88: {  	s11 =	smov.u32 s7;
	s6 =	smov.u32 s10;
	p0 =	sne.s32 s7, $0x9F8  }
.Ltmp1:
0x89: {  	s7 =	sadd.s32 $0x8, s7;
	(pc) =	sbr.rel @p0 .LBB2_5-.Ltmp1, $2  }
0x8a: {  	_ =	sdelay $0x2  }
0x8b: {  	s10 =	sadd.s32 $0x80, s10;
	s11 =	sadd.s32 s11, s0  }
0x8c: {  	s8 =	sadd.s32 $0x1, s8  }
0x8d: {  	p0 =	sne.s32 s8, $0xA  }
.Ltmp2:
0x8e: {  	_ = 	snop;
	(pc) =	sbr.rel @p0 .LBB2_2-.Ltmp2, $2  }
0x8f: {  	_ =	sdelay $0x2  }
0x90: {  	[hbm4b:s11+s4] =	stream.linear.scatter [tilespmem:s6], [sflag:$0x4], $0x40, $0x38;
	[tilespmem:$0x15900] =	vst v63  }
0x91: {  	s0 =	simm.s32 $0x3  }
0x92: {  	_ =	swait.ge [sflag:s0], $0x5000  }
0x93: {  	[sflag:s0] =	ssyncset.done $0x0  }
0x94: {  	s6 =	simm.s32 $0x4;
	[sflag:s0] =	ssyncadd.s32 $0xFFFFB000  }
0x95: {  	_ =	swait.ge [sflag:s6], $0x5000  }
0x96: {  	s7 =	rddreg [dreg:$0x5]  }
0x97: {  	s12 =	rddreg [dreg:$0x4];
	s7 =	sadd.s32 $0x1, s7  }
0x98: {  	p0 =	sne.s32 s7, s12  }
.Ltmp3:
0x99: {  	_ = 	snop;
	(pc) =	sbr.rel @p0 .LBB2_1-.Ltmp3, $3  }
0x9a: {  	_ =	sdelay $0x1  }
0x9b: {  	[sflag:s6] =	ssyncset.done $0x0  }
0x9c: {  	[sflag:s6] =	ssyncadd.s32 $0xFFFFB000  }
0x9d: {  	_ =	sfence.sel $0x180000  }
0x9e: {  	[bflag:$0x0] =	sbarrier.arrive $0xFFFF  }
0x9f: {  	_ =	strace $0x90000047  }
0xa0: {  	s0 =	stileid.u32;
	[bflag:$0x2] =	sbarrier.arrive $0xFFFF  }
0xa1: {  	p0 =	sne.s32 s0, $0x0;
	s0 =	rddreg [dreg:$0x2]  }
0xa2: {  	s0 =	sadd.s32 @!p0 $0x100000, s0  }
0xa3: {  	[sflag:s0] =	ssyncadd.tile.s32 @!p0 $0x1;
	_ =	shalt  }
.Lfunc_end2:
_tile_overlayer_lowered:
.L_overlay_start_2:
0xa4: {  	(tag) =	ssettag $0x2  }
0xa5: {  	s0 =	rddreg [dreg:$0x0];
	s2 =	stileid.u32  }
0xa6: {  	s1 =	rddreg [dreg:$0x1];
	p0 =	sne.s32 s2, $0x0  }
0xa7: {  	s3 =	rddreg [dreg:$0x2];
	[bflag:$0x3] =	sbarrier.arrive $0xFFFF;
	s2 =	simm.s32 @!p0 $0x1C05  }
0xa8: {  	[timem:s3], [sflag:s2] =	dma.local @!p0 [hbm:s0], s1  }
0xa9: {  	s0 =	simm.s32 @!p0 $0x5  }
0xaa: {  	_ =	swait.ge @!p0 [sflag:s0], s1  }
0xab: {  	s1 =	ssub.s32 @!p0 $0x0, s1;
	[sflag:s0] =	ssyncset.done @!p0 $0x0  }
0xac: {  	[sflag:s0] =	ssyncadd.s32 @!p0 s1  }
0xad: {  	[bflag:$0x3] =	sbarrier.arrive $0xFFFF  }
0xae: {  	_ =	shalt  }

// kernel: sparse-core-data-format-call.cloned.1.call-start
scs
called_computation_lowered:
.L_overlay_start_0:
0x0: {  	s2 =	sld [smem:$0x3FD9]  }
0x1: {  	s3 =	sld [smem:$0x3FFE];
	_ =	sdelay $0x1  }
0x2: {  	s1 =	srdreg.scid  }
0x3: {  	s0 =	sand.u32 $0x1, s1  }
0x4: {  	s18 =	sshll.u32 s0, $0xA;
	s2 =	sadd.s32 s3, s2  }
0x5: {  	s2 =	sadd.s32 s2, s18  }
0x6: {  	[smem:$0x3FC6] =	sst s2  }
0x7: {  	_ = 	snop  }
0x8: {  	s2 =	sld [smem:$0x3FD0];
	(tm) =	ssettm $0x1  }
0x9: {  	s19 =	sld [smem:$0x3FFB];
	_ =	sdelay $0x3  }
0xa: {  	_ =	strace s19  }
0xb: {  	s3 =	sld [smem:$0x3FFC];
	_ =	sdelay $0x3  }
0xc: {  	_ =	strace s3  }
0xd: {  	s3 =	sld [smem:$0x3FFD];
	_ =	sdelay $0x3  }
0xe: {  	_ =	strace s3  }
0xf: {  	_ =	strace $0x8FFFFFFF  }
0x10: {  	s20 =	sld [smem:$0x3FDB];
	_ =	sdelay $0x1  }
0x11: {  	s4 =	simm.s32 $_scs_section_size  }
0x12: {  	s5 =	simm.s32 $_size__tile_overlayer_lowered;
	s6 =	simm.s32 $_tile_overlayer_lowered  }
0x13: {  	s23 =	simm.s32 $0x1BFF;
	s22 =	sshll.u32 s6, $0x1;
	s3 =	sadd.s32 s4, s20  }
0x14: {  	s7 =	simm.s32 $0x0;
	s21 =	sshll.u32 s5, $0x1;
	s5 =	sadd.s32 s22, s3  }
0x15: {  	[timem:s7], [sflag:s23] =	dma.local [hbm:s5], s21  }
0x16: {  	_ =	swait.ge [sflag:s23], s21  }
0x17: {  	s4 =	ssub.s32 $0x0, s21;
	[sflag:s23] =	ssyncset.done $0x0  }
0x18: {  	[sflag:s23] =	ssyncadd.s32 s4;
	_ =	sdelay $0x1  }
0x19: {  	s24 =	simm.s32 $0x1B8B  }
0x1a: {  	_ =	swait.ge [sflag:s24], $0x1  }
0x1b: {  	[sflag:s24] =	ssyncset.done $0x0  }
0x1c: {  	s26 =	simm.s32 $0x1B8E;
	s25 =	sld [smem:$0x3FFE];
	[sflag:s24] =	ssyncadd.s32 $0xFFFFFFFF  }
0x1d: {  	s27 =	simm.s32 $execute0_lowered;
	[smem:$0x3FD2] =	sst s26  }
0x1e: {  	s5 =	sshll.u32 s27, $0x1;
	_ =	strace $0x80000049;
	[dreg:$0x1] =	wrdreg $0xFFFFFFFF  }
0x1f: {  	s28 =	simm.s32 $_size_execute0_lowered;
	s3 =	sadd.s32 s3, s5;
	[dreg:$0x0] =	wrdreg $0x0  }
0x20: {  	s5 =	sshll.u32 s28, $0x1;
	[dreg:$0x2] =	wrdreg s3  }
0x21: {  	[dreg:$0x3] =	wrdreg s5  }
0x22: {  	[dreg:$0x4] =	wrdreg $0xC0  }
0x23: {  	_ =	task [dreg:s7], $0x5FFFF  }
0x24: {  	[dreg:$0x1] =	wrdreg $0xFFFFFFFF  }
0x25: {  	[dreg:$0x0] =	wrdreg $0x60  }
0x26: {  	[dreg:$0x2] =	wrdreg s25  }
0x27: {  	[dreg:$0x3] =	wrdreg s2  }
0x28: {  	[dreg:$0x4] =	wrdreg $0x9  }
0x29: {  	_ =	task.clear_ibuf [dreg:s7], $0x5FFFF;
	_ =	strace $0x90000049  }
0x2a: {  	s29 =	simm.s32 $0x9;
	_ =	strace $0x8000004B  }
0x2b: {  	_ =	swait.ge [sflag:s29], $0x1  }
0x2c: {  	[sflag:s29] =	ssyncadd.s32 $0xFFFFFFFF  }
0x2d: {  	_ =	strace $0x9000004B  }
0x2e: {  	_ =	sfence  }
0x2f: {  	s30 =	sld [smem:$0x0];
	_ =	sdelay $0x2  }
0x30: {  	s31 =	sshll.u32 s1, $0xD;
	s1 =	sshrl.u32 s1, $0x2  }
0x31: {  	s3 =	sand.u32 $0x4000, s31;
	s1 =	sadd.s32 s1, s30  }
0x32: {  	s0 =	sor.u32 s3, s0;
	s1 =	sshll.u32 s1, $0x11  }
0x33: {  	s0 =	sor.u32 s1, s0  }
0x34: {  	s0 =	sadd.s32 $0x8F2B, s0  }
0x35: {  	[sflag:s0] =	ssyncadd.remote.s32 $0x1  }
0x36: {  	_ =	sfence.sel $0xFFFF  }
0x37: {  	[dreg:$0x0] =	wrdreg $0xFFFFFFFF;
	(pc) =	sbr.abs _section_cstart, $3  }
0x38: {  	[dreg:$0x1] =	wrdreg $0xFFFFFFFF  }
0x39: {  	_ =	task.clear_ibuf [dreg:s7], $0x2FFFF;
	_ =	strace $0x9FFFFFFF  }
0x3a: {  	(tm) =	ssettm $0x7FFFFFFF  }
0x3b: {  	_ =	shalt  }
tec
execute0_lowered:
.L_overlay_start_1:
0x0: {  	(tag) =	ssettag $0x1  }
0x1: {  	s0 =	srdreg.scid  }
0x2: {  	s1 =	sshll.u32 s0, $0x4  }
0x3: {  	s0 =	stileid.u32;
	s1 =	sand.u32 $0x10, s1  }
0x4: {  	s1 =	sor.u32 s0, s1  }
0x5: {  	s6 =	rddreg [dreg:$0x0];
	s4 =	simm.s32 $0x1;
	s2 =	sshll.u32 s1, $0x7  }
0x6: {  	s7 =	simm.s32 $0x2;
	s12 =	simm.s32 $0x0;
	s1 =	ssub.s32 $0x1000, s2  }
0x7: {  	s8 =	simm.s32 $0x8000;
	s13 =	simm.s32 $0x0;
	s3 =	sand.u32 $0xF80, s1  }
0x8: {  	s9 =	simm.s32 $0x0;
	s5 =	sshrl.u32 s1, $0xC;
	p0 =	sne.s32 s3, $0x0  }
.Ltmp0:
0x9: {  	s1 =	rddreg [dreg:$0x2];
	s4 =	simm.s32 @!p0 $0x0;
	(pc) =	sbr.rel .LBB1_1-.Ltmp0, $4  }
0xa: {  	s11 =	simm.s32 $0x0;
	s3 =	rddreg [dreg:$0x1];
	s5 =	sadd.s32 s4, s5  }
0xb: {  	_ =	strace $0x8000004A;
	s4 =	simm.s32 $0x1;
	s5 =	smul.u32 $0x32, s5  }
0xc: {  	s6 =	sadd.s32 $0xA00, s6;
	s10 =	smov.u32 s2;
	[sflag:s4] =	ssyncpa.u1 $0x0  }
0xd: {  	p0 =	por $0x0, $0x0;
	[sflag:s7] =	ssyncpa.u1 $0x0;
	s7 =	sor.u32 $0x1, s5  }
.LBB1_4:
0xe: {  	s16 =	sshll.u32 s13, $0x3;
	s17 =	sand.u32 $0x78, s13  }
0xf: {  	s30 =	sand.u32 $0x7E00, s13;
	s12 =	sshll.u32 s12, $0xF;
	s16 =	sand.u32 $0xC00, s16  }
0x10: {  	[tilespmem:s15+$0x810 ss:$0x81] =	vst.msk $0xffff, v2;
	s31 =	sand.u32 $0x7, s13;
	s16 =	sor.u32 s17, s16;
	s17 =	sadd.s32 s3, s30  }
0x11: {  	[tilespmem:s15+$0x1020 ss:$0x81] =	vst.msk $0xffff, v0;
	s13 =	sshll.u32 s31, $0x12;
	s12 =	sadd.s32 s12, s17;
	s16 =	sshrl.u32 s16, $0x3  }
0x12: {  	[tilespmem:s15+$0x0 ss:$0x81] =	vst.msk $0xffff, v1;
	s13 =	sor.u32 $0x400, s13;
	s12 =	sadd.s32 s16, s12  }
0x13: {  	[hbm4b:s12+s13] =	stream.strided.scatter [tilespmem:s14], [sflag:$0x2], $0x2000, s8, s13, $0x20;
	[tilespmem:$0x8080] =	vst v63  }
.LBB1_5:
0x14: {  	s14 =	sadd.s32 $0x1, s9  }
0x15: {  	s12 =	sadd.s32 $0x1000, s10;
	s16 =	smov.u32 s10;
	p2 =	sgt.s32 s14, $0x31  }
0x16: {  	s16 =	smov.u32 @p2 s12  }
0x17: {  	s14 =	simm.s32 @p2 $0x0;
	p2 =	sgt.s32 s16, $0xFFF  }
0x18: {  	s16 =	smov.u32 @p2 s2;
	p2 =	sne.s32 s11, s7  }
.Ltmp1:
0x19: {  	p1 =	slt.u32 s11, $0x2;
	(pc) =	sbr.rel @!p2 .LBB1_6-.Ltmp1, $4  }
0x1a: {  	s15 =	simm.s32 @!p1 $0x2  }
0x1b: {  	s13 =	smov.u32 s10;
	p0 =	por !p0, !p0;
	_ =	swait.ge @!p1 [sflag:s15], $0x2000  }
0x1c: {  	s12 =	smov.u32 s9;
	[sflag:s15] =	ssyncset.done @!p1 $0x0;
	s9 =	smov.u32 s14  }
0x1d: {  	s11 =	sadd.s32 $0x1, s11;
	[sflag:s15] =	ssyncadd.s32 @!p1 $0xFFFFE000;
	s10 =	smov.u32 s16  }
.LBB1_1:
0x1e: {  	p1 =	sge.u32 s11, s5  }
0x1f: {  	s14 =	sand.u32 @!p1 $0x1FFFFFF, s9  }
0x20: {  	s15 =	smulhi.u32 @!p1 $0x4924925, s14;
	_ =	sdelay $0x1  }
0x21: {  	s15 =	smul.u32 @!p1 $0x38, s15  }
0x22: {  	s16 =	sxor.u32 @!p1 $0xFFFFFFFF, s11;
	s17 =	smul.u32 @!p1 $0x380, s10  }
0x23: {  	s31 =	sadd.s32 $0xFFFFFFFF, s11;
	s16 =	sshll.u32 @!p1 s16, $0xD;
	s14 =	ssub.s32 @!p1 s14, s15  }
0x24: {  	s15 =	sand.u32 @!p1 $0x2000, s16;
	s16 =	sadd.s32 @!p1 s6, s17;
	s14 =	sshll.u32 @!p1 s14, $0x4  }
0x25: {  	s17 =	simm.s32 @!p1 $0x1C00;
	s14 =	sadd.s32 @!p1 s14, s16;
	s16 =	simm.s32 @!p1 $0x40  }
0x26: {  	[tilespmem:s15], [sflag:$0x1] =	stream.strided.gather @!p1 [hbm4b:s14+s16], $0x2000, s17, s16, $0x38;
	[tilespmem:$0x8080] =	vst v63  }
0x27: {  	p1 =	sge.u32 s31, s5  }
.Ltmp2:
0x28: {  	_ = 	snop;
	(pc) =	sbr.rel @p1 .LBB1_5-.Ltmp2, $1  }
0x29: {  	_ =	sdelay $0x3  }
0x2a: {  	s14 =	simm.s32 $0x1  }
0x2b: {  	_ =	swait.ge [sflag:s4], $0x2000;
	s14 =	simm.s32 @!p0 $0x0  }
0x2c: {  	[sflag:s4] =	ssyncset.done $0x0;
	s15 =	sshll.u32 s14, $0xD  }
0x2d: {  	[sflag:s4] =	ssyncadd.s32 $0xFFFFE000;
	s18 =	sor.u32 $0x20, s15  }
0x2e: {  	s14 =	smul.u32 $0x8100, s14;
	v3 =	vld [tilespmem:s18+$0x10]  }
0x2f: {  	s30 =	sand.u32 $0x1, s11;
	v2 =	vld [tilespmem:s18+$0xFFFFFFF0]  }
0x30: {  	s15 =	smul.u32 $0x8100, s30;
	s14 =	sshrl.u32 s14, $0x2;
	v0 =	vld [tilespmem:s18+$0x0]  }
0x31: {  	v1 =	vld [tilespmem:s18+$0xFFFFFFE0];
	s16 =	sor.u32 $0x4000, s14  }
0x32: {  	s31 =	sshrl.u32 s15, $0x2;
	s15 =	sadd.s32 $0x0, s16  }
0x33: {  	s17 =	simm.s32 $0x4;
	s18 =	sadd.s32 $0x40, s18;
	s14 =	sor.u32 $0x4000, s31;
	[tilespmem:s15+$0x1830 ss:$0x81] =	vst.msk $0xffff, v3  }
.LBB1_3:
0x34: {  	v3 =	vld [tilespmem:s18+$0x10];
	p1 =	sne.s32 s17, $0x1FC;
	[tilespmem:s15+$0x810 ss:$0x81] =	vst.msk $0xffff, v2;
	s19 =	smov.u32 s17;
	s17 =	sadd.s32 $0x4, s17  }
.Ltmp3:
0x35: {  	v2 =	vld [tilespmem:s18+$0xFFFFFFF0];
	[tilespmem:s15+$0x1020 ss:$0x81] =	vst.msk $0xffff, v0;
	(pc) =	sbr.rel @p1 .LBB1_3-.Ltmp3, $4  }
0x36: {  	v0 =	vld [tilespmem:s18+$0x0];
	[tilespmem:s15+$0x0 ss:$0x81] =	vst.msk $0xffff, v1  }
0x37: {  	s15 =	sshra.s32 s19, $0x2;
	v1 =	vld [tilespmem:s18+$0xFFFFFFE0]  }
0x38: {  	s15 =	sadd.s32 s15, s16  }
0x39: {  	s18 =	sadd.s32 $0x40, s18;
	[tilespmem:s15+$0x1830 ss:$0x81] =	vst.msk $0xffff, v3  }
.Ltmp4:
0x3a: {  	_ = 	snop;
	(pc) =	sbr.rel .LBB1_4-.Ltmp4, $1  }
0x3b: {  	_ =	sdelay $0x3  }
.LBB1_6:
0x3c: {  	_ =	sfence.sel $0x180000  }
0x3d: {  	s2 =	simm.s32 $0x1;
	[bflag:$0x0] =	sbarrier.arrive $0xFFFF  }
0x3e: {  	s31 =	simm.s32 $0x2;
	[sflag:s2] =	ssyncpa.u1 $0x1  }
0x3f: {  	[sflag:s31] =	ssyncpa.u1 $0x1  }
0x40: {  	p0 =	sne.s32 s0, $0x0;
	_ =	strace $0x9000004A  }
0x41: {  	s0 =	sadd.s32 @!p0 $0x100000, s1;
	[bflag:$0x2] =	sbarrier.arrive $0xFFFF  }
0x42: {  	[sflag:s0] =	ssyncadd.tile.s32 @!p0 $0x1;
	_ =	shalt  }
.Lfunc_end1:
_tile_overlayer_lowered:
.L_overlay_start_2:
0x43: {  	(tag) =	ssettag $0x2  }
0x44: {  	s0 =	rddreg [dreg:$0x0];
	s2 =	stileid.u32  }
0x45: {  	s1 =	rddreg [dreg:$0x1];
	p0 =	sne.s32 s2, $0x0  }
0x46: {  	s3 =	rddreg [dreg:$0x2];
	[bflag:$0x3] =	sbarrier.arrive $0xFFFF;
	s2 =	simm.s32 @!p0 $0x1C01  }
0x47: {  	[timem:s3], [sflag:s2] =	dma.local @!p0 [hbm:s0], s1  }
0x48: {  	s0 =	simm.s32 @!p0 $0x1  }
0x49: {  	_ =	swait.ge @!p0 [sflag:s0], s1  }
0x4a: {  	s1 =	ssub.s32 @!p0 $0x0, s1;
	[sflag:s0] =	ssyncset.done @!p0 $0x0  }
0x4b: {  	[sflag:s0] =	ssyncadd.s32 @!p0 s1  }
0x4c: {  	[bflag:$0x3] =	sbarrier.arrive $0xFFFF  }
0x4d: {  	_ =	shalt  }

</sc_bundles>
